<compile_context>
chip_gen: v7x
topology: tpu7x:2x2x1
jax: 0.10.2.dev20260603
libtpu: 0.0.44.dev20260713+nightly
codegen_flags: <defaults>
</compile_context>

<pallas_src>
import functools

import jax
import jax.numpy as jnp
from jax import lax
from jax.experimental import pallas as pl
from jax.experimental.pallas import tpu as pltpu
from jax.experimental.pallas import tpu_sc as plsc

BATCH = 4096
IN_DIM = 128
INTER_DIM = 128
VOCAB = 1000
CH = 8
CPER = 16
CMAX = 1408
BP = BATCH + CH
RM = 512


def _chunk_matvec_body(widx_ref, rstart_ref, *refs):
    dw_refs = refs[:CPER]
    c_ref, out_ref = refs[CPER:]
    i = pl.program_id(0)
    for j in range(CPER):
        w = dw_refs[j][0].astype(jnp.bfloat16)
        k = rstart_ref[i * CPER + j]
        rows = c_ref[pl.ds(k, CH), :].astype(jnp.bfloat16)
        out_ref[pl.ds(k, CH), :] = jnp.tanh(
            jax.lax.dot(rows, w, preferred_element_type=jnp.float32))


L = 16
VP = 1024


def _sc_sort_body(ids_hbm, perm_hbm, inv_hbm, widx_hbm, rstart_hbm,
                  ids_v, hist_v, perm_v, inv_v, starts_v, ncum_v,
                  wi_v, rs_v):
    wid = lax.axis_index("s") * 2 + lax.axis_index("c")

    @pl.when(wid == 0)
    def _():
        pltpu.sync_copy(ids_hbm, ids_v)
        iota = lax.iota(jnp.int32, L)
        zeros = jnp.zeros((L,), jnp.int32)
        ones = jnp.ones((L,), jnp.int32)

        def zero_body(k, c):
            hist_v[pl.ds(k * L, L)] = zeros
            return c

        lax.fori_loop(0, (L * VP) // L, zero_body, 0)

        def hist_body(c, carry):
            vec = ids_v[pl.ds(c * L, L)]
            plsc.addupdate_scatter(hist_v, [vec + iota * VP], ones)
            return carry

        lax.fori_loop(0, BATCH // L, hist_body, 0)

        def mark_init(c, carry):
            wi_v[pl.ds(c * L, L)] = zeros - 1
            return carry

        lax.fori_loop(0, CMAX // L, mark_init, 0)

        def merge_body(k, carry):
            rcarry, ccarry = carry
            acc = hist_v[pl.ds(k * L, L)]
            for l in range(1, L):
                acc = acc + hist_v[pl.ds(l * VP + k * L, L)]
            incl = plsc.cumsum(acc)
            svec = incl - acc + rcarry
            starts_v[pl.ds(k * L, L)] = svec
            base = svec
            for l in range(L):
                tmp = hist_v[pl.ds(l * VP + k * L, L)]
                hist_v[pl.ds(l * VP + k * L, L)] = base
                base = base + tmp
            nc = lax.shift_right_logical(acc + (CH - 1), 3)
            ninc = plsc.cumsum(nc)
            nprev = ninc - nc + ccarry
            ncum_v[pl.ds(k * L, L)] = nprev
            plsc.store_scatter(wi_v, [nprev], k * L + iota, mask=acc > 0)
            return (rcarry + jnp.sum(acc), ccarry + jnp.sum(nc))

        lax.fori_loop(0, VP // L, merge_body, (0, 0))

        def fill_body(c, carry):
            vec = wi_v[pl.ds(c * L, L)]
            g = jnp.maximum(plsc.cummax(vec), carry)
            nprev = plsc.load_gather(ncum_v, [g])
            sg = plsc.load_gather(starts_v, [g])
            slot = c * L + iota
            rs = jnp.minimum(sg + CH * (slot - nprev), BATCH)
            wi_v[pl.ds(c * L, L)] = g
            rs_v[pl.ds(c * L, L)] = rs
            return jnp.max(g)

        lax.fori_loop(0, CMAX // L, fill_body, 0)

        def place_body(c, carry):
            vec = ids_v[pl.ds(c * L, L)]
            idx = vec + iota * VP
            cur = plsc.load_gather(hist_v, [idx])
            rows = c * L + iota
            plsc.store_scatter(perm_v, [cur], rows)
            inv_v[pl.ds(c * L, L)] = cur
            plsc.store_scatter(hist_v, [idx], cur + 1)
            return carry

        lax.fori_loop(0, BATCH // L, place_body, 0)

        pltpu.sync_copy(perm_v, perm_hbm)
        pltpu.sync_copy(inv_v, inv_hbm)
        pltpu.sync_copy(wi_v, widx_hbm)
        pltpu.sync_copy(rs_v, rstart_hbm)


@functools.partial(
    pl.kernel,
    out_type=[
        jax.ShapeDtypeStruct((BATCH,), jnp.int32),
        jax.ShapeDtypeStruct((BATCH,), jnp.int32),
        jax.ShapeDtypeStruct((CMAX,), jnp.int32),
        jax.ShapeDtypeStruct((CMAX,), jnp.int32),
    ],
    mesh=plsc.VectorSubcoreMesh(core_axis_name="c", subcore_axis_name="s"),
    compiler_params=pltpu.CompilerParams(needs_layout_passes=False),
    scratch_types=[
        pltpu.VMEM((BATCH,), jnp.int32),
        pltpu.VMEM((L * VP,), jnp.int32),
        pltpu.VMEM((BATCH,), jnp.int32),
        pltpu.VMEM((BATCH,), jnp.int32),
        pltpu.VMEM((VP,), jnp.int32),
        pltpu.VMEM((VP,), jnp.int32),
        pltpu.VMEM((CMAX,), jnp.int32),
        pltpu.VMEM((CMAX,), jnp.int32),
    ],
)
def _sc_sort(ids_hbm, perm_hbm, inv_hbm, widx_hbm, rstart_hbm,
             ids_v, hist_v, perm_v, inv_v, starts_v, ncum_v, wi_v, rs_v):
    _sc_sort_body(ids_hbm, perm_hbm, inv_hbm, widx_hbm, rstart_hbm,
                  ids_v, hist_v, perm_v, inv_v, starts_v, ncum_v, wi_v, rs_v)


def _logits_body(inter_ref, lw_ref, b_ref, out_ref):
    logits = jax.lax.dot_general(
        inter_ref[...].astype(jnp.bfloat16), lw_ref[...],
        (((1,), (1,)), ((), ())),
        preferred_element_type=jnp.float32)
    out_ref[...] = jax.nn.sigmoid(logits + b_ref[...])


@jax.jit
def kernel(vocab_ids, compressed, decoder_weights, linear_w, linear_b):
    perm, inv_perm, w_idx, row_start = _sc_sort(vocab_ids)
    c_sorted = jnp.zeros((BP, IN_DIM), jnp.float32).at[:BATCH].set(
        compressed[perm])

    def dw_index(i, widx, rst, j):
        return (widx[i * CPER + j], 0, 0)

    in_specs = [
        pl.BlockSpec((1, IN_DIM, INTER_DIM), functools.partial(dw_index, j=j))
        for j in range(CPER)
    ]
    in_specs.append(pl.BlockSpec((BP, IN_DIM), lambda i, widx, rst: (0, 0)))

    inter_sorted = pl.pallas_call(
        _chunk_matvec_body,
        grid_spec=pltpu.PrefetchScalarGridSpec(
            num_scalar_prefetch=2,
            grid=(CMAX // CPER,),
            in_specs=in_specs,
            out_specs=pl.BlockSpec((BP, INTER_DIM), lambda i, widx, rst: (0, 0)),
        ),
        out_shape=jax.ShapeDtypeStruct((BP, INTER_DIM), jnp.float32),
    )(w_idx, row_start, *([decoder_weights] * CPER), c_sorted)

    inter = inter_sorted[:BATCH][inv_perm]

    out = pl.pallas_call(
        _logits_body,
        grid=(BATCH // RM,),
        in_specs=[
            pl.BlockSpec((RM, INTER_DIM), lambda i: (i, 0)),
            pl.BlockSpec((VOCAB, INTER_DIM), lambda i: (0, 0)),
            pl.BlockSpec((1, VOCAB), lambda i: (0, 0)),
        ],
        out_specs=pl.BlockSpec((RM, VOCAB), lambda i: (i, 0)),
        out_shape=jax.ShapeDtypeStruct((BATCH, VOCAB), jnp.float32),
    )(inter, linear_w.astype(jnp.bfloat16), linear_b.reshape(1, VOCAB))
    return out

# --- scband reference (transcript-rebuilt; emitter-appended) ---
"""Pipeline reference for scband-decoder-3659312136425 (READ-ONLY COPY).

The authoritative reference and input builder live on the scoring server;
editing this copy changes nothing except your own understanding.
"""

import jax, jax.numpy as jnp
import numpy as np

VOCAB = 1000
IN_DIM = 128
INTER_DIM = 128
BATCH = 4096


def setup_inputs(seed: int = 0) -> dict:
    key = jax.random.key(seed)
    k1, k2, k3, k4, k5 = jax.random.split(key, 5)
    vocab_ids = jax.random.randint(k1, (BATCH,), 0, VOCAB, dtype=jnp.int32)
    compressed = jax.random.normal(k2, (BATCH, IN_DIM), dtype=jnp.float32)
    # kaiming_uniform_(a=sqrt(5)) on [vocab, in, inter]: fan_in = in*inter, bound = 1/sqrt(fan_in)
    bound = 1.0 / np.sqrt(IN_DIM * INTER_DIM)
    decoder_weights = jax.random.uniform(k3, (VOCAB, IN_DIM, INTER_DIM), minval=-bound, maxval=bound, dtype=jnp.float32)
    # nn.Linear(INTER_DIM, VOCAB) default init: U(-1/sqrt(in), 1/sqrt(in))
    lb = 1.0 / np.sqrt(INTER_DIM)
    linear_w = jax.random.uniform(k4, (VOCAB, INTER_DIM), minval=-lb, maxval=lb, dtype=jnp.float32)
    linear_b = jax.random.uniform(k5, (VOCAB,), minval=-lb, maxval=lb, dtype=jnp.float32)
    return {"vocab_ids": vocab_ids, "compressed": compressed, "decoder_weights": decoder_weights, "linear_w": linear_w, "linear_b": linear_b}


def reference(vocab_ids, compressed, decoder_weights, linear_w, linear_b):
    # per-word matrix gather: [B, IN_DIM, INTER_DIM]
    dw = jnp.take(decoder_weights, vocab_ids, axis=0)
    intermediate = jnp.tanh(jnp.einsum('bdi,bd->bi', dw, compressed))
    logits = intermediate @ linear_w.T + linear_b
    prediction = jax.nn.sigmoid(logits)
    return prediction

if __name__ == "__main__":
    import jax
    _d = setup_inputs()
    print(jax.jit(kernel)(*tuple(_d.values())))

</pallas_src>

<mosaic_0001>
#map = affine_map<(d0, d1) -> (0)>
module attributes {stable_mosaic.version = 14 : i64} {
  func.func @_sc_sort(%arg0: i32, %arg1: i32, %arg2: memref<4096xi32, #tpu.memory_space<hbm>>, %arg3: memref<4096xi32, #tpu.memory_space<hbm>>, %arg4: memref<4096xi32, #tpu.memory_space<hbm>>, %arg5: memref<1408xi32, #tpu.memory_space<hbm>>, %arg6: memref<1408xi32, #tpu.memory_space<hbm>>, %arg7: memref<4096xi32, #tpu.memory_space<vmem>>, %arg8: memref<16384xi32, #tpu.memory_space<vmem>>, %arg9: memref<4096xi32, #tpu.memory_space<vmem>>, %arg10: memref<4096xi32, #tpu.memory_space<vmem>>, %arg11: memref<1024xi32, #tpu.memory_space<vmem>>, %arg12: memref<1024xi32, #tpu.memory_space<vmem>>, %arg13: memref<1408xi32, #tpu.memory_space<vmem>>, %arg14: memref<1408xi32, #tpu.memory_space<vmem>>) attributes {dimension_semantics = [#tpu.dimension_semantics<core_parallel>, #tpu.dimension_semantics<subcore_parallel>], iteration_bounds = array<i64: 2, 16>, scalar_prefetch = 0 : i64, scratch_operands = 8 : i64, tpu.core_type = #tpu.core_type<sc_vector_subcore>, window_params = [{transform_indices = #map}, {transform_indices = #map}, {transform_indices = #map}, {transform_indices = #map}, {transform_indices = #map}]} {
    %mul3A = arith.constant 2 : i32
    %mul3A_0 = arith.muli %arg1, %mul3A : i32
    %add3A = arith.addi %mul3A_0, %arg0 : i32
    %eq3A = arith.constant 0 : i32
    %eq3A_1 = arith.cmpi eq, %add3A, %eq3A : i32
    %convert_element_type3A = arith.extui %eq3A_1 : i1 to i32
    %cond3A = arith.constant 0 : i32
    %cond3A_2 = arith.cmpi ne, %convert_element_type3A, %cond3A : i32
    scf.if %cond3A_2 {
      "tpu.region"() ({
        %run_scoped3A = tpu.sem_alloc : memref<!tpu.dma_semaphore, #tpu.memory_space<semaphore_mem>>
        tpu.enqueue_dma source(%arg2 : memref<4096xi32, #tpu.memory_space<hbm>>) target(%arg7 : memref<4096xi32, #tpu.memory_space<vmem>>) target_semaphore(%run_scoped3A : memref<!tpu.dma_semaphore, #tpu.memory_space<semaphore_mem>>)
        tpu.wait_dma2 semaphore(%run_scoped3A : memref<!tpu.dma_semaphore, #tpu.memory_space<semaphore_mem>>) src(%arg2 : memref<4096xi32, #tpu.memory_space<hbm>>) dst(%arg7 : memref<4096xi32, #tpu.memory_space<vmem>>)
        tpu.yield
      }) : () -> ()
      %iota3A = tpu.iota {dimensions = array<i32: 0>} : vector<16xi32>
      %broadcast_in_dim3A = arith.constant 0 : i32
      %broadcast_in_dim3A_3 = vector.broadcast %broadcast_in_dim3A : i32 to vector<16xi32>
      %broadcast_in_dim3A_4 = arith.constant 1 : i32
      %broadcast_in_dim3A_5 = vector.broadcast %broadcast_in_dim3A_4 : i32 to vector<16xi32>
      %scan3A = arith.constant 0 : i32
      %scan3A_6 = arith.constant 0 : i32
      %scan3A_7 = arith.constant 1024 : i32
      %scan3A_8 = arith.addi %scan3A_6, %scan3A_7 : i32
      %scan3A_9 = arith.constant 1 : i32
      scf.for %scan3A_44 = %scan3A_6 to %scan3A_8 step %scan3A_9  : i32 {
        %mul3A_45 = arith.constant 16 : i32
        %mul3A_46 = arith.muli %scan3A_44, %mul3A_45 : i32
        %swap3A = arith.index_cast %mul3A_46 : i32 to index
        %swap3A_47 = tpu.vector_load %arg8[%swap3A] {strides = array<i32>} : memref<16384xi32, #tpu.memory_space<vmem>>, vector<16xi32>,
        tpu.vector_store %arg8[%swap3A], %broadcast_in_dim3A_3 {strides = array<i32>} : memref<16384xi32, #tpu.memory_space<vmem>>, vector<16xi32>,
      }
      %scan3A_10 = arith.constant 1024 : i32
      %scan3A_11 = arith.constant 0 : i32
      %scan3A_12 = arith.constant 0 : i32
      %scan3A_13 = arith.constant 256 : i32
      %scan3A_14 = arith.addi %scan3A_12, %scan3A_13 : i32
      %scan3A_15 = arith.constant 1 : i32
      scf.for %scan3A_44 = %scan3A_12 to %scan3A_14 step %scan3A_15  : i32 {
        %mul3A_45 = arith.constant 16 : i32
        %mul3A_46 = arith.muli %scan3A_44, %mul3A_45 : i32
        %get3A = arith.index_cast %mul3A_46 : i32 to index
        %get3A_47 = tpu.vector_load %arg7[%get3A] {strides = array<i32>} : memref<4096xi32, #tpu.memory_space<vmem>>, vector<16xi32>,
        %mul3A_48 = arith.constant 1024 : i32
        %mul3A_49 = vector.broadcast %mul3A_48 : i32 to vector<16xi32>
        %mul3A_50 = arith.muli %iota3A, %mul3A_49 : vector<16xi32>
        %add3A_51 = arith.addi %get3A_47, %mul3A_50 : vector<16xi32>
        tpu.vector_store_idx %arg8[%add3A_51], %broadcast_in_dim3A_5 {add = true} : memref<16384xi32, #tpu.memory_space<vmem>>[vector<16xi32>], vector<16xi32>,
      }
      %scan3A_16 = arith.constant 256 : i32
      %scan3A_17 = arith.constant 0 : i32
      %scan3A_18 = arith.constant 0 : i32
      %scan3A_19 = arith.constant 88 : i32
      %scan3A_20 = arith.addi %scan3A_18, %scan3A_19 : i32
      %scan3A_21 = arith.constant 1 : i32
      scf.for %scan3A_44 = %scan3A_18 to %scan3A_20 step %scan3A_21  : i32 {
        %sub3A = arith.constant 1 : i32
        %sub3A_45 = vector.broadcast %sub3A : i32 to vector<16xi32>
        %sub3A_46 = arith.subi %broadcast_in_dim3A_3, %sub3A_45 : vector<16xi32>
        %mul3A_47 = arith.constant 16 : i32
        %mul3A_48 = arith.muli %scan3A_44, %mul3A_47 : i32
        %swap3A = arith.index_cast %mul3A_48 : i32 to index
        %swap3A_49 = tpu.vector_load %arg13[%swap3A] {strides = array<i32>} : memref<1408xi32, #tpu.memory_space<vmem>>, vector<16xi32>,
        tpu.vector_store %arg13[%swap3A], %sub3A_46 {strides = array<i32>} : memref<1408xi32, #tpu.memory_space<vmem>>, vector<16xi32>,
      }
      %scan3A_22 = arith.constant 88 : i32
      %scan3A_23 = arith.constant 0 : i32
      %scan3A_24 = arith.constant 0 : i32
      %scan3A_25 = arith.constant 0 : i32
      %scan3A_26 = arith.constant 64 : i32
      %scan3A_27 = arith.addi %scan3A_25, %scan3A_26 : i32
      %scan3A_28 = arith.constant 1 : i32
      %scan3A_29:2 = scf.for %scan3A_44 = %scan3A_25 to %scan3A_27 step %scan3A_28 iter_args(%scan3A_45 = %scan3A_23, %scan3A_46 = %scan3A_24) -> (i32, i32)  : i32 {
        %mul3A_47 = arith.constant 16 : i32
        %mul3A_48 = arith.muli %scan3A_44, %mul3A_47 : i32
        %get3A = arith.index_cast %mul3A_48 : i32 to index
        %get3A_49 = tpu.vector_load %arg8[%get3A] {strides = array<i32>} : memref<16384xi32, #tpu.memory_space<vmem>>, vector<16xi32>,
        %mul3A_50 = arith.constant 16 : i32
        %mul3A_51 = arith.muli %scan3A_44, %mul3A_50 : i32
        %add3A_52 = arith.constant 1024 : i32
        %add3A_53 = arith.addi %add3A_52, %mul3A_51 : i32
        %get3A_54 = arith.index_cast %add3A_53 : i32 to index
        %get3A_55 = tpu.vector_load %arg8[%get3A_54] {strides = array<i32>} : memref<16384xi32, #tpu.memory_space<vmem>>, vector<16xi32>,
        %add3A_56 = arith.addi %get3A_49, %get3A_55 : vector<16xi32>
        %mul3A_57 = arith.constant 16 : i32
        %mul3A_58 = arith.muli %scan3A_44, %mul3A_57 : i32
        %add3A_59 = arith.constant 2048 : i32
        %add3A_60 = arith.addi %add3A_59, %mul3A_58 : i32
        %get3A_61 = arith.index_cast %add3A_60 : i32 to index
        %get3A_62 = tpu.vector_load %arg8[%get3A_61] {strides = array<i32>} : memref<16384xi32, #tpu.memory_space<vmem>>, vector<16xi32>,
        %add3A_63 = arith.addi %add3A_56, %get3A_62 : vector<16xi32>
        %mul3A_64 = arith.constant 16 : i32
        %mul3A_65 = arith.muli %scan3A_44, %mul3A_64 : i32
        %add3A_66 = arith.constant 3072 : i32
        %add3A_67 = arith.addi %add3A_66, %mul3A_65 : i32
        %get3A_68 = arith.index_cast %add3A_67 : i32 to index
        %get3A_69 = tpu.vector_load %arg8[%get3A_68] {strides = array<i32>} : memref<16384xi32, #tpu.memory_space<vmem>>, vector<16xi32>,
        %add3A_70 = arith.addi %add3A_63, %get3A_69 : vector<16xi32>
        %mul3A_71 = arith.constant 16 : i32
        %mul3A_72 = arith.muli %scan3A_44, %mul3A_71 : i32
        %add3A_73 = arith.constant 4096 : i32
        %add3A_74 = arith.addi %add3A_73, %mul3A_72 : i32
        %get3A_75 = arith.index_cast %add3A_74 : i32 to index
        %get3A_76 = tpu.vector_load %arg8[%get3A_75] {strides = array<i32>} : memref<16384xi32, #tpu.memory_space<vmem>>, vector<16xi32>,
        %add3A_77 = arith.addi %add3A_70, %get3A_76 : vector<16xi32>
        %mul3A_78 = arith.constant 16 : i32
        %mul3A_79 = arith.muli %scan3A_44, %mul3A_78 : i32
        %add3A_80 = arith.constant 5120 : i32
        %add3A_81 = arith.addi %add3A_80, %mul3A_79 : i32
        %get3A_82 = arith.index_cast %add3A_81 : i32 to index
        %get3A_83 = tpu.vector_load %arg8[%get3A_82] {strides = array<i32>} : memref<16384xi32, #tpu.memory_space<vmem>>, vector<16xi32>,
        %add3A_84 = arith.addi %add3A_77, %get3A_83 : vector<16xi32>
        %mul3A_85 = arith.constant 16 : i32
        %mul3A_86 = arith.muli %scan3A_44, %mul3A_85 : i32
        %add3A_87 = arith.constant 6144 : i32
        %add3A_88 = arith.addi %add3A_87, %mul3A_86 : i32
        %get3A_89 = arith.index_cast %add3A_88 : i32 to index
        %get3A_90 = tpu.vector_load %arg8[%get3A_89] {strides = array<i32>} : memref<16384xi32, #tpu.memory_space<vmem>>, vector<16xi32>,
        %add3A_91 = arith.addi %add3A_84, %get3A_90 : vector<16xi32>
        %mul3A_92 = arith.constant 16 : i32
        %mul3A_93 = arith.muli %scan3A_44, %mul3A_92 : i32
        %add3A_94 = arith.constant 7168 : i32
        %add3A_95 = arith.addi %add3A_94, %mul3A_93 : i32
        %get3A_96 = arith.index_cast %add3A_95 : i32 to index
        %get3A_97 = tpu.vector_load %arg8[%get3A_96] {strides = array<i32>} : memref<16384xi32, #tpu.memory_space<vmem>>, vector<16xi32>,
        %add3A_98 = arith.addi %add3A_91, %get3A_97 : vector<16xi32>
        %mul3A_99 = arith.constant 16 : i32
        %mul3A_100 = arith.muli %scan3A_44, %mul3A_99 : i32
        %add3A_101 = arith.constant 8192 : i32
        %add3A_102 = arith.addi %add3A_101, %mul3A_100 : i32
        %get3A_103 = arith.index_cast %add3A_102 : i32 to index
        %get3A_104 = tpu.vector_load %arg8[%get3A_103] {strides = array<i32>} : memref<16384xi32, #tpu.memory_space<vmem>>, vector<16xi32>,
        %add3A_105 = arith.addi %add3A_98, %get3A_104 : vector<16xi32>
        %mul3A_106 = arith.constant 16 : i32
        %mul3A_107 = arith.muli %scan3A_44, %mul3A_106 : i32
        %add3A_108 = arith.constant 9216 : i32
        %add3A_109 = arith.addi %add3A_108, %mul3A_107 : i32
        %get3A_110 = arith.index_cast %add3A_109 : i32 to index
        %get3A_111 = tpu.vector_load %arg8[%get3A_110] {strides = array<i32>} : memref<16384xi32, #tpu.memory_space<vmem>>, vector<16xi32>,
        %add3A_112 = arith.addi %add3A_105, %get3A_111 : vector<16xi32>
        %mul3A_113 = arith.constant 16 : i32
        %mul3A_114 = arith.muli %scan3A_44, %mul3A_113 : i32
        %add3A_115 = arith.constant 10240 : i32
        %add3A_116 = arith.addi %add3A_115, %mul3A_114 : i32
        %get3A_117 = arith.index_cast %add3A_116 : i32 to index
        %get3A_118 = tpu.vector_load %arg8[%get3A_117] {strides = array<i32>} : memref<16384xi32, #tpu.memory_space<vmem>>, vector<16xi32>,
        %add3A_119 = arith.addi %add3A_112, %get3A_118 : vector<16xi32>
        %mul3A_120 = arith.constant 16 : i32
        %mul3A_121 = arith.muli %scan3A_44, %mul3A_120 : i32
        %add3A_122 = arith.constant 11264 : i32
        %add3A_123 = arith.addi %add3A_122, %mul3A_121 : i32
        %get3A_124 = arith.index_cast %add3A_123 : i32 to index
        %get3A_125 = tpu.vector_load %arg8[%get3A_124] {strides = array<i32>} : memref<16384xi32, #tpu.memory_space<vmem>>, vector<16xi32>,
        %add3A_126 = arith.addi %add3A_119, %get3A_125 : vector<16xi32>
        %mul3A_127 = arith.constant 16 : i32
        %mul3A_128 = arith.muli %scan3A_44, %mul3A_127 : i32
        %add3A_129 = arith.constant 12288 : i32
        %add3A_130 = arith.addi %add3A_129, %mul3A_128 : i32
        %get3A_131 = arith.index_cast %add3A_130 : i32 to index
        %get3A_132 = tpu.vector_load %arg8[%get3A_131] {strides = array<i32>} : memref<16384xi32, #tpu.memory_space<vmem>>, vector<16xi32>,
        %add3A_133 = arith.addi %add3A_126, %get3A_132 : vector<16xi32>
        %mul3A_134 = arith.constant 16 : i32
        %mul3A_135 = arith.muli %scan3A_44, %mul3A_134 : i32
        %add3A_136 = arith.constant 13312 : i32
        %add3A_137 = arith.addi %add3A_136, %mul3A_135 : i32
        %get3A_138 = arith.index_cast %add3A_137 : i32 to index
        %get3A_139 = tpu.vector_load %arg8[%get3A_138] {strides = array<i32>} : memref<16384xi32, #tpu.memory_space<vmem>>, vector<16xi32>,
        %add3A_140 = arith.addi %add3A_133, %get3A_139 : vector<16xi32>
        %mul3A_141 = arith.constant 16 : i32
        %mul3A_142 = arith.muli %scan3A_44, %mul3A_141 : i32
        %add3A_143 = arith.constant 14336 : i32
        %add3A_144 = arith.addi %add3A_143, %mul3A_142 : i32
        %get3A_145 = arith.index_cast %add3A_144 : i32 to index
        %get3A_146 = tpu.vector_load %arg8[%get3A_145] {strides = array<i32>} : memref<16384xi32, #tpu.memory_space<vmem>>, vector<16xi32>,
        %add3A_147 = arith.addi %add3A_140, %get3A_146 : vector<16xi32>
        %mul3A_148 = arith.constant 16 : i32
        %mul3A_149 = arith.muli %scan3A_44, %mul3A_148 : i32
        %add3A_150 = arith.constant 15360 : i32
        %add3A_151 = arith.addi %add3A_150, %mul3A_149 : i32
        %get3A_152 = arith.index_cast %add3A_151 : i32 to index
        %get3A_153 = tpu.vector_load %arg8[%get3A_152] {strides = array<i32>} : memref<16384xi32, #tpu.memory_space<vmem>>, vector<16xi32>,
        %add3A_154 = arith.addi %add3A_147, %get3A_153 : vector<16xi32>
        %broadcast_in_dim3A_155 = arith.constant true
        %broadcast_in_dim3A_156 = vector.broadcast %broadcast_in_dim3A_155 : i1 to vector<16xi1>
        %masked_cumsum3A = tpu.scan <sum>, %add3A_154 masked %broadcast_in_dim3A_156 : vector<16xi32>, vector<16xi1> -> vector<16xi32>
        %sub3A = arith.subi %masked_cumsum3A, %add3A_154 : vector<16xi32>
        %add3A_157 = vector.broadcast %scan3A_45 : i32 to vector<16xi32>
        %add3A_158 = arith.addi %sub3A, %add3A_157 : vector<16xi32>
        %mul3A_159 = arith.constant 16 : i32
        %mul3A_160 = arith.muli %scan3A_44, %mul3A_159 : i32
        %swap3A = arith.index_cast %mul3A_160 : i32 to index
        %swap3A_161 = tpu.vector_load %arg11[%swap3A] {strides = array<i32>} : memref<1024xi32, #tpu.memory_space<vmem>>, vector<16xi32>,
        tpu.vector_store %arg11[%swap3A], %add3A_158 {strides = array<i32>} : memref<1024xi32, #tpu.memory_space<vmem>>, vector<16xi32>,
        %mul3A_162 = arith.constant 16 : i32
        %mul3A_163 = arith.muli %scan3A_44, %mul3A_162 : i32
        %add3A_164 = arith.constant 0 : i32
        %add3A_165 = arith.addi %add3A_164, %mul3A_163 : i32
        %get3A_166 = arith.index_cast %add3A_165 : i32 to index
        %get3A_167 = tpu.vector_load %arg8[%get3A_166] {strides = array<i32>} : memref<16384xi32, #tpu.memory_space<vmem>>, vector<16xi32>,
        %mul3A_168 = arith.constant 16 : i32
        %mul3A_169 = arith.muli %scan3A_44, %mul3A_168 : i32
        %add3A_170 = arith.constant 0 : i32
        %add3A_171 = arith.addi %add3A_170, %mul3A_169 : i32
        %swap3A_172 = arith.index_cast %add3A_171 : i32 to index
        %swap3A_173 = tpu.vector_load %arg8[%swap3A_172] {strides = array<i32>} : memref<16384xi32, #tpu.memory_space<vmem>>, vector<16xi32>,
        tpu.vector_store %arg8[%swap3A_172], %add3A_158 {strides = array<i32>} : memref<16384xi32, #tpu.memory_space<vmem>>, vector<16xi32>,
        %add3A_174 = arith.addi %add3A_158, %get3A_167 : vector<16xi32>
        %mul3A_175 = arith.constant 16 : i32
        %mul3A_176 = arith.muli %scan3A_44, %mul3A_175 : i32
        %add3A_177 = arith.constant 1024 : i32
        %add3A_178 = arith.addi %add3A_177, %mul3A_176 : i32
        %get3A_179 = arith.index_cast %add3A_178 : i32 to index
        %get3A_180 = tpu.vector_load %arg8[%get3A_179] {strides = array<i32>} : memref<16384xi32, #tpu.memory_space<vmem>>, vector<16xi32>,
        %mul3A_181 = arith.constant 16 : i32
        %mul3A_182 = arith.muli %scan3A_44, %mul3A_181 : i32
        %add3A_183 = arith.constant 1024 : i32
        %add3A_184 = arith.addi %add3A_183, %mul3A_182 : i32
        %swap3A_185 = arith.index_cast %add3A_184 : i32 to index
        %swap3A_186 = tpu.vector_load %arg8[%swap3A_185] {strides = array<i32>} : memref<16384xi32, #tpu.memory_space<vmem>>, vector<16xi32>,
        tpu.vector_store %arg8[%swap3A_185], %add3A_174 {strides = array<i32>} : memref<16384xi32, #tpu.memory_space<vmem>>, vector<16xi32>,
        %add3A_187 = arith.addi %add3A_174, %get3A_180 : vector<16xi32>
        %mul3A_188 = arith.constant 16 : i32
        %mul3A_189 = arith.muli %scan3A_44, %mul3A_188 : i32
        %add3A_190 = arith.constant 2048 : i32
        %add3A_191 = arith.addi %add3A_190, %mul3A_189 : i32
        %get3A_192 = arith.index_cast %add3A_191 : i32 to index
        %get3A_193 = tpu.vector_load %arg8[%get3A_192] {strides = array<i32>} : memref<16384xi32, #tpu.memory_space<vmem>>, vector<16xi32>,
        %mul3A_194 = arith.constant 16 : i32
        %mul3A_195 = arith.muli %scan3A_44, %mul3A_194 : i32
        %add3A_196 = arith.constant 2048 : i32
        %add3A_197 = arith.addi %add3A_196, %mul3A_195 : i32
        %swap3A_198 = arith.index_cast %add3A_197 : i32 to index
        %swap3A_199 = tpu.vector_load %arg8[%swap3A_198] {strides = array<i32>} : memref<16384xi32, #tpu.memory_space<vmem>>, vector<16xi32>,
        tpu.vector_store %arg8[%swap3A_198], %add3A_187 {strides = array<i32>} : memref<16384xi32, #tpu.memory_space<vmem>>, vector<16xi32>,
        %add3A_200 = arith.addi %add3A_187, %get3A_193 : vector<16xi32>
        %mul3A_201 = arith.constant 16 : i32
        %mul3A_202 = arith.muli %scan3A_44, %mul3A_201 : i32
        %add3A_203 = arith.constant 3072 : i32
        %add3A_204 = arith.addi %add3A_203, %mul3A_202 : i32
        %get3A_205 = arith.index_cast %add3A_204 : i32 to index
        %get3A_206 = tpu.vector_load %arg8[%get3A_205] {strides = array<i32>} : memref<16384xi32, #tpu.memory_space<vmem>>, vector<16xi32>,
        %mul3A_207 = arith.constant 16 : i32
        %mul3A_208 = arith.muli %scan3A_44, %mul3A_207 : i32
        %add3A_209 = arith.constant 3072 : i32
        %add3A_210 = arith.addi %add3A_209, %mul3A_208 : i32
        %swap3A_211 = arith.index_cast %add3A_210 : i32 to index
        %swap3A_212 = tpu.vector_load %arg8[%swap3A_211] {strides = array<i32>} : memref<16384xi32, #tpu.memory_space<vmem>>, vector<16xi32>,
        tpu.vector_store %arg8[%swap3A_211], %add3A_200 {strides = array<i32>} : memref<16384xi32, #tpu.memory_space<vmem>>, vector<16xi32>,
        %add3A_213 = arith.addi %add3A_200, %get3A_206 : vector<16xi32>
        %mul3A_214 = arith.constant 16 : i32
        %mul3A_215 = arith.muli %scan3A_44, %mul3A_214 : i32
        %add3A_216 = arith.constant 4096 : i32
        %add3A_217 = arith.addi %add3A_216, %mul3A_215 : i32
        %get3A_218 = arith.index_cast %add3A_217 : i32 to index
        %get3A_219 = tpu.vector_load %arg8[%get3A_218] {strides = array<i32>} : memref<16384xi32, #tpu.memory_space<vmem>>, vector<16xi32>,
        %mul3A_220 = arith.constant 16 : i32
        %mul3A_221 = arith.muli %scan3A_44, %mul3A_220 : i32
        %add3A_222 = arith.constant 4096 : i32
        %add3A_223 = arith.addi %add3A_222, %mul3A_221 : i32
        %swap3A_224 = arith.index_cast %add3A_223 : i32 to index
        %swap3A_225 = tpu.vector_load %arg8[%swap3A_224] {strides = array<i32>} : memref<16384xi32, #tpu.memory_space<vmem>>, vector<16xi32>,
        tpu.vector_store %arg8[%swap3A_224], %add3A_213 {strides = array<i32>} : memref<16384xi32, #tpu.memory_space<vmem>>, vector<16xi32>,
        %add3A_226 = arith.addi %add3A_213, %get3A_219 : vector<16xi32>
        %mul3A_227 = arith.constant 16 : i32
        %mul3A_228 = arith.muli %scan3A_44, %mul3A_227 : i32
        %add3A_229 = arith.constant 5120 : i32
        %add3A_230 = arith.addi %add3A_229, %mul3A_228 : i32
        %get3A_231 = arith.index_cast %add3A_230 : i32 to index
        %get3A_232 = tpu.vector_load %arg8[%get3A_231] {strides = array<i32>} : memref<16384xi32, #tpu.memory_space<vmem>>, vector<16xi32>,
        %mul3A_233 = arith.constant 16 : i32
        %mul3A_234 = arith.muli %scan3A_44, %mul3A_233 : i32
        %add3A_235 = arith.constant 5120 : i32
        %add3A_236 = arith.addi %add3A_235, %mul3A_234 : i32
        %swap3A_237 = arith.index_cast %add3A_236 : i32 to index
        %swap3A_238 = tpu.vector_load %arg8[%swap3A_237] {strides = array<i32>} : memref<16384xi32, #tpu.memory_space<vmem>>, vector<16xi32>,
        tpu.vector_store %arg8[%swap3A_237], %add3A_226 {strides = array<i32>} : memref<16384xi32, #tpu.memory_space<vmem>>, vector<16xi32>,
        %add3A_239 = arith.addi %add3A_226, %get3A_232 : vector<16xi32>
        %mul3A_240 = arith.constant 16 : i32
        %mul3A_241 = arith.muli %scan3A_44, %mul3A_240 : i32
        %add3A_242 = arith.constant 6144 : i32
        %add3A_243 = arith.addi %add3A_242, %mul3A_241 : i32
        %get3A_244 = arith.index_cast %add3A_243 : i32 to index
        %get3A_245 = tpu.vector_load %arg8[%get3A_244] {strides = array<i32>} : memref<16384xi32, #tpu.memory_space<vmem>>, vector<16xi32>,
        %mul3A_246 = arith.constant 16 : i32
        %mul3A_247 = arith.muli %scan3A_44, %mul3A_246 : i32
        %add3A_248 = arith.constant 6144 : i32
        %add3A_249 = arith.addi %add3A_248, %mul3A_247 : i32
        %swap3A_250 = arith.index_cast %add3A_249 : i32 to index
        %swap3A_251 = tpu.vector_load %arg8[%swap3A_250] {strides = array<i32>} : memref<16384xi32, #tpu.memory_space<vmem>>, vector<16xi32>,
        tpu.vector_store %arg8[%swap3A_250], %add3A_239 {strides = array<i32>} : memref<16384xi32, #tpu.memory_space<vmem>>, vector<16xi32>,
        %add3A_252 = arith.addi %add3A_239, %get3A_245 : vector<16xi32>
        %mul3A_253 = arith.constant 16 : i32
        %mul3A_254 = arith.muli %scan3A_44, %mul3A_253 : i32
        %add3A_255 = arith.constant 7168 : i32
        %add3A_256 = arith.addi %add3A_255, %mul3A_254 : i32
        %get3A_257 = arith.index_cast %add3A_256 : i32 to index
        %get3A_258 = tpu.vector_load %arg8[%get3A_257] {strides = array<i32>} : memref<16384xi32, #tpu.memory_space<vmem>>, vector<16xi32>,
        %mul3A_259 = arith.constant 16 : i32
        %mul3A_260 = arith.muli %scan3A_44, %mul3A_259 : i32
        %add3A_261 = arith.constant 7168 : i32
        %add3A_262 = arith.addi %add3A_261, %mul3A_260 : i32
        %swap3A_263 = arith.index_cast %add3A_262 : i32 to index
        %swap3A_264 = tpu.vector_load %arg8[%swap3A_263] {strides = array<i32>} : memref<16384xi32, #tpu.memory_space<vmem>>, vector<16xi32>,
        tpu.vector_store %arg8[%swap3A_263], %add3A_252 {strides = array<i32>} : memref<16384xi32, #tpu.memory_space<vmem>>, vector<16xi32>,
        %add3A_265 = arith.addi %add3A_252, %get3A_258 : vector<16xi32>
        %mul3A_266 = arith.constant 16 : i32
        %mul3A_267 = arith.muli %scan3A_44, %mul3A_266 : i32
        %add3A_268 = arith.constant 8192 : i32
        %add3A_269 = arith.addi %add3A_268, %mul3A_267 : i32
        %get3A_270 = arith.index_cast %add3A_269 : i32 to index
        %get3A_271 = tpu.vector_load %arg8[%get3A_270] {strides = array<i32>} : memref<16384xi32, #tpu.memory_space<vmem>>, vector<16xi32>,
        %mul3A_272 = arith.constant 16 : i32
        %mul3A_273 = arith.muli %scan3A_44, %mul3A_272 : i32
        %add3A_274 = arith.constant 8192 : i32
        %add3A_275 = arith.addi %add3A_274, %mul3A_273 : i32
        %swap3A_276 = arith.index_cast %add3A_275 : i32 to index
        %swap3A_277 = tpu.vector_load %arg8[%swap3A_276] {strides = array<i32>} : memref<16384xi32, #tpu.memory_space<vmem>>, vector<16xi32>,
        tpu.vector_store %arg8[%swap3A_276], %add3A_265 {strides = array<i32>} : memref<16384xi32, #tpu.memory_space<vmem>>, vector<16xi32>,
        %add3A_278 = arith.addi %add3A_265, %get3A_271 : vector<16xi32>
        %mul3A_279 = arith.constant 16 : i32
        %mul3A_280 = arith.muli %scan3A_44, %mul3A_279 : i32
        %add3A_281 = arith.constant 9216 : i32
        %add3A_282 = arith.addi %add3A_281, %mul3A_280 : i32
        %get3A_283 = arith.index_cast %add3A_282 : i32 to index
        %get3A_284 = tpu.vector_load %arg8[%get3A_283] {strides = array<i32>} : memref<16384xi32, #tpu.memory_space<vmem>>, vector<16xi32>,
        %mul3A_285 = arith.constant 16 : i32
        %mul3A_286 = arith.muli %scan3A_44, %mul3A_285 : i32
        %add3A_287 = arith.constant 9216 : i32
        %add3A_288 = arith.addi %add3A_287, %mul3A_286 : i32
        %swap3A_289 = arith.index_cast %add3A_288 : i32 to index
        %swap3A_290 = tpu.vector_load %arg8[%swap3A_289] {strides = array<i32>} : memref<16384xi32, #tpu.memory_space<vmem>>, vector<16xi32>,
        tpu.vector_store %arg8[%swap3A_289], %add3A_278 {strides = array<i32>} : memref<16384xi32, #tpu.memory_space<vmem>>, vector<16xi32>,
        %add3A_291 = arith.addi %add3A_278, %get3A_284 : vector<16xi32>
        %mul3A_292 = arith.constant 16 : i32
        %mul3A_293 = arith.muli %scan3A_44, %mul3A_292 : i32
        %add3A_294 = arith.constant 10240 : i32
        %add3A_295 = arith.addi %add3A_294, %mul3A_293 : i32
        %get3A_296 = arith.index_cast %add3A_295 : i32 to index
        %get3A_297 = tpu.vector_load %arg8[%get3A_296] {strides = array<i32>} : memref<16384xi32, #tpu.memory_space<vmem>>, vector<16xi32>,
        %mul3A_298 = arith.constant 16 : i32
        %mul3A_299 = arith.muli %scan3A_44, %mul3A_298 : i32
        %add3A_300 = arith.constant 10240 : i32
        %add3A_301 = arith.addi %add3A_300, %mul3A_299 : i32
        %swap3A_302 = arith.index_cast %add3A_301 : i32 to index
        %swap3A_303 = tpu.vector_load %arg8[%swap3A_302] {strides = array<i32>} : memref<16384xi32, #tpu.memory_space<vmem>>, vector<16xi32>,
        tpu.vector_store %arg8[%swap3A_302], %add3A_291 {strides = array<i32>} : memref<16384xi32, #tpu.memory_space<vmem>>, vector<16xi32>,
        %add3A_304 = arith.addi %add3A_291, %get3A_297 : vector<16xi32>
        %mul3A_305 = arith.constant 16 : i32
        %mul3A_306 = arith.muli %scan3A_44, %mul3A_305 : i32
        %add3A_307 = arith.constant 11264 : i32
        %add3A_308 = arith.addi %add3A_307, %mul3A_306 : i32
        %get3A_309 = arith.index_cast %add3A_308 : i32 to index
        %get3A_310 = tpu.vector_load %arg8[%get3A_309] {strides = array<i32>} : memref<16384xi32, #tpu.memory_space<vmem>>, vector<16xi32>,
        %mul3A_311 = arith.constant 16 : i32
        %mul3A_312 = arith.muli %scan3A_44, %mul3A_311 : i32
        %add3A_313 = arith.constant 11264 : i32
        %add3A_314 = arith.addi %add3A_313, %mul3A_312 : i32
        %swap3A_315 = arith.index_cast %add3A_314 : i32 to index
        %swap3A_316 = tpu.vector_load %arg8[%swap3A_315] {strides = array<i32>} : memref<16384xi32, #tpu.memory_space<vmem>>, vector<16xi32>,
        tpu.vector_store %arg8[%swap3A_315], %add3A_304 {strides = array<i32>} : memref<16384xi32, #tpu.memory_space<vmem>>, vector<16xi32>,
        %add3A_317 = arith.addi %add3A_304, %get3A_310 : vector<16xi32>
        %mul3A_318 = arith.constant 16 : i32
        %mul3A_319 = arith.muli %scan3A_44, %mul3A_318 : i32
        %add3A_320 = arith.constant 12288 : i32
        %add3A_321 = arith.addi %add3A_320, %mul3A_319 : i32
        %get3A_322 = arith.index_cast %add3A_321 : i32 to index
        %get3A_323 = tpu.vector_load %arg8[%get3A_322] {strides = array<i32>} : memref<16384xi32, #tpu.memory_space<vmem>>, vector<16xi32>,
        %mul3A_324 = arith.constant 16 : i32
        %mul3A_325 = arith.muli %scan3A_44, %mul3A_324 : i32
        %add3A_326 = arith.constant 12288 : i32
        %add3A_327 = arith.addi %add3A_326, %mul3A_325 : i32
        %swap3A_328 = arith.index_cast %add3A_327 : i32 to index
        %swap3A_329 = tpu.vector_load %arg8[%swap3A_328] {strides = array<i32>} : memref<16384xi32, #tpu.memory_space<vmem>>, vector<16xi32>,
        tpu.vector_store %arg8[%swap3A_328], %add3A_317 {strides = array<i32>} : memref<16384xi32, #tpu.memory_space<vmem>>, vector<16xi32>,
        %add3A_330 = arith.addi %add3A_317, %get3A_323 : vector<16xi32>
        %mul3A_331 = arith.constant 16 : i32
        %mul3A_332 = arith.muli %scan3A_44, %mul3A_331 : i32
        %add3A_333 = arith.constant 13312 : i32
        %add3A_334 = arith.addi %add3A_333, %mul3A_332 : i32
        %get3A_335 = arith.index_cast %add3A_334 : i32 to index
        %get3A_336 = tpu.vector_load %arg8[%get3A_335] {strides = array<i32>} : memref<16384xi32, #tpu.memory_space<vmem>>, vector<16xi32>,
        %mul3A_337 = arith.constant 16 : i32
        %mul3A_338 = arith.muli %scan3A_44, %mul3A_337 : i32
        %add3A_339 = arith.constant 13312 : i32
        %add3A_340 = arith.addi %add3A_339, %mul3A_338 : i32
        %swap3A_341 = arith.index_cast %add3A_340 : i32 to index
        %swap3A_342 = tpu.vector_load %arg8[%swap3A_341] {strides = array<i32>} : memref<16384xi32, #tpu.memory_space<vmem>>, vector<16xi32>,
        tpu.vector_store %arg8[%swap3A_341], %add3A_330 {strides = array<i32>} : memref<16384xi32, #tpu.memory_space<vmem>>, vector<16xi32>,
        %add3A_343 = arith.addi %add3A_330, %get3A_336 : vector<16xi32>
        %mul3A_344 = arith.constant 16 : i32
        %mul3A_345 = arith.muli %scan3A_44, %mul3A_344 : i32
        %add3A_346 = arith.constant 14336 : i32
        %add3A_347 = arith.addi %add3A_346, %mul3A_345 : i32
        %get3A_348 = arith.index_cast %add3A_347 : i32 to index
        %get3A_349 = tpu.vector_load %arg8[%get3A_348] {strides = array<i32>} : memref<16384xi32, #tpu.memory_space<vmem>>, vector<16xi32>,
        %mul3A_350 = arith.constant 16 : i32
        %mul3A_351 = arith.muli %scan3A_44, %mul3A_350 : i32
        %add3A_352 = arith.constant 14336 : i32
        %add3A_353 = arith.addi %add3A_352, %mul3A_351 : i32
        %swap3A_354 = arith.index_cast %add3A_353 : i32 to index
        %swap3A_355 = tpu.vector_load %arg8[%swap3A_354] {strides = array<i32>} : memref<16384xi32, #tpu.memory_space<vmem>>, vector<16xi32>,
        tpu.vector_store %arg8[%swap3A_354], %add3A_343 {strides = array<i32>} : memref<16384xi32, #tpu.memory_space<vmem>>, vector<16xi32>,
        %add3A_356 = arith.addi %add3A_343, %get3A_349 : vector<16xi32>
        %mul3A_357 = arith.constant 16 : i32
        %mul3A_358 = arith.muli %scan3A_44, %mul3A_357 : i32
        %add3A_359 = arith.constant 15360 : i32
        %add3A_360 = arith.addi %add3A_359, %mul3A_358 : i32
        %get3A_361 = arith.index_cast %add3A_360 : i32 to index
        %get3A_362 = tpu.vector_load %arg8[%get3A_361] {strides = array<i32>} : memref<16384xi32, #tpu.memory_space<vmem>>, vector<16xi32>,
        %mul3A_363 = arith.constant 16 : i32
        %mul3A_364 = arith.muli %scan3A_44, %mul3A_363 : i32
        %add3A_365 = arith.constant 15360 : i32
        %add3A_366 = arith.addi %add3A_365, %mul3A_364 : i32
        %swap3A_367 = arith.index_cast %add3A_366 : i32 to index
        %swap3A_368 = tpu.vector_load %arg8[%swap3A_367] {strides = array<i32>} : memref<16384xi32, #tpu.memory_space<vmem>>, vector<16xi32>,
        tpu.vector_store %arg8[%swap3A_367], %add3A_356 {strides = array<i32>} : memref<16384xi32, #tpu.memory_space<vmem>>, vector<16xi32>,
        %add3A_369 = arith.addi %add3A_356, %get3A_362 : vector<16xi32>
        %add3A_370 = arith.constant 7 : i32
        %add3A_371 = vector.broadcast %add3A_370 : i32 to vector<16xi32>
        %add3A_372 = arith.addi %add3A_154, %add3A_371 : vector<16xi32>
        %shift_right_logical3A = arith.constant 3 : i32
        %shift_right_logical3A_373 = vector.broadcast %shift_right_logical3A : i32 to vector<16xi32>
        %shift_right_logical3A_374 = arith.shrui %add3A_372, %shift_right_logical3A_373 : vector<16xi32>
        %broadcast_in_dim3A_375 = arith.constant true
        %broadcast_in_dim3A_376 = vector.broadcast %broadcast_in_dim3A_375 : i1 to vector<16xi1>
        %masked_cumsum3A_377 = tpu.scan <sum>, %shift_right_logical3A_374 masked %broadcast_in_dim3A_376 : vector<16xi32>, vector<16xi1> -> vector<16xi32>
        %sub3A_378 = arith.subi %masked_cumsum3A_377, %shift_right_logical3A_374 : vector<16xi32>
        %add3A_379 = vector.broadcast %scan3A_46 : i32 to vector<16xi32>
        %add3A_380 = arith.addi %sub3A_378, %add3A_379 : vector<16xi32>
        %mul3A_381 = arith.constant 16 : i32
        %mul3A_382 = arith.muli %scan3A_44, %mul3A_381 : i32
        %swap3A_383 = arith.index_cast %mul3A_382 : i32 to index
        %swap3A_384 = tpu.vector_load %arg12[%swap3A_383] {strides = array<i32>} : memref<1024xi32, #tpu.memory_space<vmem>>, vector<16xi32>,
        tpu.vector_store %arg12[%swap3A_383], %add3A_380 {strides = array<i32>} : memref<1024xi32, #tpu.memory_space<vmem>>, vector<16xi32>,
        %mul3A_385 = arith.constant 16 : i32
        %mul3A_386 = arith.muli %scan3A_44, %mul3A_385 : i32
        %add3A_387 = vector.broadcast %mul3A_386 : i32 to vector<16xi32>
        %add3A_388 = arith.addi %add3A_387, %iota3A : vector<16xi32>
        %gt3A = arith.constant 0 : i32
        %gt3A_389 = vector.broadcast %gt3A : i32 to vector<16xi32>
        %gt3A_390 = arith.cmpi sgt, %add3A_154, %gt3A_389 : vector<16xi32>
        tpu.vector_store_idx %arg13[%add3A_380], %add3A_388 masked %gt3A_390 : memref<1408xi32, #tpu.memory_space<vmem>>[vector<16xi32>], vector<16xi32>, vector<16xi1>
        %reduce_sum3A = arith.constant true
        %reduce_sum3A_391 = vector.broadcast %reduce_sum3A : i1 to vector<16xi1>
        %reduce_sum3A_392 = tpu.scan <sum>, %add3A_154 masked %reduce_sum3A_391 : vector<16xi32>, vector<16xi1> -> vector<16xi32>
        %reduce_sum3A_393 = vector.extract %reduce_sum3A_392[15] : i32 from vector<16xi32>
        %add3A_394 = arith.addi %scan3A_45, %reduce_sum3A_393 : i32
        %reduce_sum3A_395 = arith.constant true
        %reduce_sum3A_396 = vector.broadcast %reduce_sum3A_395 : i1 to vector<16xi1>
        %reduce_sum3A_397 = tpu.scan <sum>, %shift_right_logical3A_374 masked %reduce_sum3A_396 : vector<16xi32>, vector<16xi1> -> vector<16xi32>
        %reduce_sum3A_398 = vector.extract %reduce_sum3A_397[15] : i32 from vector<16xi32>
        %add3A_399 = arith.addi %scan3A_46, %reduce_sum3A_398 : i32
        scf.yield %add3A_394, %add3A_399 : i32, i32
      }
      %scan3A_30 = arith.constant 64 : i32
      %scan3A_31 = arith.constant 0 : i32
      %scan3A_32 = arith.constant 0 : i32
      %scan3A_33 = arith.constant 88 : i32
      %scan3A_34 = arith.addi %scan3A_32, %scan3A_33 : i32
      %scan3A_35 = arith.constant 1 : i32
      %scan3A_36 = scf.for %scan3A_44 = %scan3A_32 to %scan3A_34 step %scan3A_35 iter_args(%scan3A_45 = %scan3A_31) -> (i32)  : i32 {
        %mul3A_46 = arith.constant 16 : i32
        %mul3A_47 = arith.muli %scan3A_44, %mul3A_46 : i32
        %get3A = arith.index_cast %mul3A_47 : i32 to index
        %get3A_48 = tpu.vector_load %arg13[%get3A] {strides = array<i32>} : memref<1408xi32, #tpu.memory_space<vmem>>, vector<16xi32>,
        %broadcast_in_dim3A_49 = arith.constant true
        %broadcast_in_dim3A_50 = vector.broadcast %broadcast_in_dim3A_49 : i1 to vector<16xi1>
        %masked_cummax3A = arith.constant -2147483648 : i32
        %masked_cummax3A_51 = vector.broadcast %masked_cummax3A : i32 to vector<16xi32>
        %masked_cummax3A_52 = arith.xori %get3A_48, %masked_cummax3A_51 : vector<16xi32>
        %masked_cummax3A_53 = tpu.scan <max>, %masked_cummax3A_52 masked %broadcast_in_dim3A_50 : vector<16xi32>, vector<16xi1> -> vector<16xi32>
        %masked_cummax3A_54 = arith.xori %masked_cummax3A_53, %masked_cummax3A_51 : vector<16xi32>
        %max3A = vector.broadcast %scan3A_45 : i32 to vector<16xi32>
        %max3A_55 = arith.maxsi %masked_cummax3A_54, %max3A : vector<16xi32>
        %gather3A = tpu.vector_load_idx %arg12[%max3A_55] : memref<1024xi32, #tpu.memory_space<vmem>>[vector<16xi32>], vector<16xi32>,
        %gather3A_56 = tpu.vector_load_idx %arg11[%max3A_55] : memref<1024xi32, #tpu.memory_space<vmem>>[vector<16xi32>], vector<16xi32>,
        %mul3A_57 = arith.constant 16 : i32
        %mul3A_58 = arith.muli %scan3A_44, %mul3A_57 : i32
        %add3A_59 = vector.broadcast %mul3A_58 : i32 to vector<16xi32>
        %add3A_60 = arith.addi %add3A_59, %iota3A : vector<16xi32>
        %sub3A = arith.subi %add3A_60, %gather3A : vector<16xi32>
        %mul3A_61 = arith.constant 8 : i32
        %mul3A_62 = vector.broadcast %mul3A_61 : i32 to vector<16xi32>
        %mul3A_63 = arith.muli %mul3A_62, %sub3A : vector<16xi32>
        %add3A_64 = arith.addi %gather3A_56, %mul3A_63 : vector<16xi32>
        %min3A = arith.constant 4096 : i32
        %min3A_65 = vector.broadcast %min3A : i32 to vector<16xi32>
        %min3A_66 = arith.minsi %add3A_64, %min3A_65 : vector<16xi32>
        %mul3A_67 = arith.constant 16 : i32
        %mul3A_68 = arith.muli %scan3A_44, %mul3A_67 : i32
        %swap3A = arith.index_cast %mul3A_68 : i32 to index
        %swap3A_69 = tpu.vector_load %arg13[%swap3A] {strides = array<i32>} : memref<1408xi32, #tpu.memory_space<vmem>>, vector<16xi32>,
        tpu.vector_store %arg13[%swap3A], %max3A_55 {strides = array<i32>} : memref<1408xi32, #tpu.memory_space<vmem>>, vector<16xi32>,
        %mul3A_70 = arith.constant 16 : i32
        %mul3A_71 = arith.muli %scan3A_44, %mul3A_70 : i32
        %swap3A_72 = arith.index_cast %mul3A_71 : i32 to index
        %swap3A_73 = tpu.vector_load %arg14[%swap3A_72] {strides = array<i32>} : memref<1408xi32, #tpu.memory_space<vmem>>, vector<16xi32>,
        tpu.vector_store %arg14[%swap3A_72], %min3A_66 {strides = array<i32>} : memref<1408xi32, #tpu.memory_space<vmem>>, vector<16xi32>,
        %reduce_max3A = arith.constant true
        %reduce_max3A_74 = vector.broadcast %reduce_max3A : i1 to vector<16xi1>
        %reduce_max3A_75 = arith.constant -2147483648 : i32
        %reduce_max3A_76 = vector.broadcast %reduce_max3A_75 : i32 to vector<16xi32>
        %reduce_max3A_77 = arith.xori %max3A_55, %reduce_max3A_76 : vector<16xi32>
        %reduce_max3A_78 = tpu.scan <max>, %reduce_max3A_77 masked %reduce_max3A_74 : vector<16xi32>, vector<16xi1> -> vector<16xi32>
        %reduce_max3A_79 = arith.xori %reduce_max3A_78, %reduce_max3A_76 : vector<16xi32>
        %reduce_max3A_80 = vector.extract %reduce_max3A_79[15] : i32 from vector<16xi32>
        scf.yield %reduce_max3A_80 : i32
      }
      %scan3A_37 = arith.constant 88 : i32
      %scan3A_38 = arith.constant 0 : i32
      %scan3A_39 = arith.constant 0 : i32
      %scan3A_40 = arith.constant 256 : i32
      %scan3A_41 = arith.addi %scan3A_39, %scan3A_40 : i32
      %scan3A_42 = arith.constant 1 : i32
      scf.for %scan3A_44 = %scan3A_39 to %scan3A_41 step %scan3A_42  : i32 {
        %mul3A_45 = arith.constant 16 : i32
        %mul3A_46 = arith.muli %scan3A_44, %mul3A_45 : i32
        %get3A = arith.index_cast %mul3A_46 : i32 to index
        %get3A_47 = tpu.vector_load %arg7[%get3A] {strides = array<i32>} : memref<4096xi32, #tpu.memory_space<vmem>>, vector<16xi32>,
        %mul3A_48 = arith.constant 1024 : i32
        %mul3A_49 = vector.broadcast %mul3A_48 : i32 to vector<16xi32>
        %mul3A_50 = arith.muli %iota3A, %mul3A_49 : vector<16xi32>
        %add3A_51 = arith.addi %get3A_47, %mul3A_50 : vector<16xi32>
        %gather3A = tpu.vector_load_idx %arg8[%add3A_51] : memref<16384xi32, #tpu.memory_space<vmem>>[vector<16xi32>], vector<16xi32>,
        %mul3A_52 = arith.constant 16 : i32
        %mul3A_53 = arith.muli %scan3A_44, %mul3A_52 : i32
        %add3A_54 = vector.broadcast %mul3A_53 : i32 to vector<16xi32>
        %add3A_55 = arith.addi %add3A_54, %iota3A : vector<16xi32>
        tpu.vector_store_idx %arg9[%gather3A], %add3A_55 : memref<4096xi32, #tpu.memory_space<vmem>>[vector<16xi32>], vector<16xi32>,
        %mul3A_56 = arith.constant 16 : i32
        %mul3A_57 = arith.muli %scan3A_44, %mul3A_56 : i32
        %swap3A = arith.index_cast %mul3A_57 : i32 to index
        %swap3A_58 = tpu.vector_load %arg10[%swap3A] {strides = array<i32>} : memref<4096xi32, #tpu.memory_space<vmem>>, vector<16xi32>,
        tpu.vector_store %arg10[%swap3A], %gather3A {strides = array<i32>} : memref<4096xi32, #tpu.memory_space<vmem>>, vector<16xi32>,
        %add3A_59 = arith.constant 1 : i32
        %add3A_60 = vector.broadcast %add3A_59 : i32 to vector<16xi32>
        %add3A_61 = arith.addi %gather3A, %add3A_60 : vector<16xi32>
        tpu.vector_store_idx %arg8[%add3A_51], %add3A_61 : memref<16384xi32, #tpu.memory_space<vmem>>[vector<16xi32>], vector<16xi32>,
      }
      %scan3A_43 = arith.constant 256 : i32
      "tpu.region"() ({
        %run_scoped3A = tpu.sem_alloc : memref<!tpu.dma_semaphore, #tpu.memory_space<semaphore_mem>>
        tpu.enqueue_dma source(%arg9 : memref<4096xi32, #tpu.memory_space<vmem>>) target(%arg3 : memref<4096xi32, #tpu.memory_space<hbm>>) target_semaphore(%run_scoped3A : memref<!tpu.dma_semaphore, #tpu.memory_space<semaphore_mem>>)
        tpu.wait_dma2 semaphore(%run_scoped3A : memref<!tpu.dma_semaphore, #tpu.memory_space<semaphore_mem>>) src(%arg9 : memref<4096xi32, #tpu.memory_space<vmem>>) dst(%arg3 : memref<4096xi32, #tpu.memory_space<hbm>>)
        tpu.yield
      }) : () -> ()
      "tpu.region"() ({
        %run_scoped3A = tpu.sem_alloc : memref<!tpu.dma_semaphore, #tpu.memory_space<semaphore_mem>>
        tpu.enqueue_dma source(%arg10 : memref<4096xi32, #tpu.memory_space<vmem>>) target(%arg4 : memref<4096xi32, #tpu.memory_space<hbm>>) target_semaphore(%run_scoped3A : memref<!tpu.dma_semaphore, #tpu.memory_space<semaphore_mem>>)
        tpu.wait_dma2 semaphore(%run_scoped3A : memref<!tpu.dma_semaphore, #tpu.memory_space<semaphore_mem>>) src(%arg10 : memref<4096xi32, #tpu.memory_space<vmem>>) dst(%arg4 : memref<4096xi32, #tpu.memory_space<hbm>>)
        tpu.yield
      }) : () -> ()
      "tpu.region"() ({
        %run_scoped3A = tpu.sem_alloc : memref<!tpu.dma_semaphore, #tpu.memory_space<semaphore_mem>>
        tpu.enqueue_dma source(%arg13 : memref<1408xi32, #tpu.memory_space<vmem>>) target(%arg5 : memref<1408xi32, #tpu.memory_space<hbm>>) target_semaphore(%run_scoped3A : memref<!tpu.dma_semaphore, #tpu.memory_space<semaphore_mem>>)
        tpu.wait_dma2 semaphore(%run_scoped3A : memref<!tpu.dma_semaphore, #tpu.memory_space<semaphore_mem>>) src(%arg13 : memref<1408xi32, #tpu.memory_space<vmem>>) dst(%arg5 : memref<1408xi32, #tpu.memory_space<hbm>>)
        tpu.yield
      }) : () -> ()
      "tpu.region"() ({
        %run_scoped3A = tpu.sem_alloc : memref<!tpu.dma_semaphore, #tpu.memory_space<semaphore_mem>>
        tpu.enqueue_dma source(%arg14 : memref<1408xi32, #tpu.memory_space<vmem>>) target(%arg6 : memref<1408xi32, #tpu.memory_space<hbm>>) target_semaphore(%run_scoped3A : memref<!tpu.dma_semaphore, #tpu.memory_space<semaphore_mem>>)
        tpu.wait_dma2 semaphore(%run_scoped3A : memref<!tpu.dma_semaphore, #tpu.memory_space<semaphore_mem>>) src(%arg14 : memref<1408xi32, #tpu.memory_space<vmem>>) dst(%arg6 : memref<1408xi32, #tpu.memory_space<hbm>>)
        tpu.yield
      }) : () -> ()
    } else {
    }
    return
  }
}

module attributes {stable_mosaic.version = 14 : i64} {
  func.func @_chunk_matvec_body(%arg0: i32, %arg1: memref<1408xi32, #tpu.memory_space<smem>>, %arg2: memref<1408xi32, #tpu.memory_space<smem>>, %arg3: memref<1x128x128xf32, #tpu.memory_space<vmem>>, %arg4: memref<1x128x128xf32, #tpu.memory_space<vmem>>, %arg5: memref<1x128x128xf32, #tpu.memory_space<vmem>>, %arg6: memref<1x128x128xf32, #tpu.memory_space<vmem>>, %arg7: memref<1x128x128xf32, #tpu.memory_space<vmem>>, %arg8: memref<1x128x128xf32, #tpu.memory_space<vmem>>, %arg9: memref<1x128x128xf32, #tpu.memory_space<vmem>>, %arg10: memref<1x128x128xf32, #tpu.memory_space<vmem>>, %arg11: memref<1x128x128xf32, #tpu.memory_space<vmem>>, %arg12: memref<1x128x128xf32, #tpu.memory_space<vmem>>, %arg13: memref<1x128x128xf32, #tpu.memory_space<vmem>>, %arg14: memref<1x128x128xf32, #tpu.memory_space<vmem>>, %arg15: memref<1x128x128xf32, #tpu.memory_space<vmem>>, %arg16: memref<1x128x128xf32, #tpu.memory_space<vmem>>, %arg17: memref<1x128x128xf32, #tpu.memory_space<vmem>>, %arg18: memref<1x128x128xf32, #tpu.memory_space<vmem>>, %arg19: memref<4104x128xf32, #tpu.memory_space<vmem>>, %arg20: memref<4104x128xf32, #tpu.memory_space<vmem>>) attributes {dimension_semantics = [#tpu.dimension_semantics<arbitrary>], iteration_bounds = array<i64: 88>, scalar_prefetch = 2 : i64, scratch_operands = 0 : i64, tpu.core_type = #tpu.core_type<tc>, window_params = [{transform_indices = @transform_0, window_bounds = array<i64: 1, 128, 128>}, {transform_indices = @transform_1, window_bounds = array<i64: 1, 128, 128>}, {transform_indices = @transform_2, window_bounds = array<i64: 1, 128, 128>}, {transform_indices = @transform_3, window_bounds = array<i64: 1, 128, 128>}, {transform_indices = @transform_4, window_bounds = array<i64: 1, 128, 128>}, {transform_indices = @transform_5, window_bounds = array<i64: 1, 128, 128>}, {transform_indices = @transform_6, window_bounds = array<i64: 1, 128, 128>}, {transform_indices = @transform_7, window_bounds = array<i64: 1, 128, 128>}, {transform_indices = @transform_8, window_bounds = array<i64: 1, 128, 128>}, {transform_indices = @transform_9, window_bounds = array<i64: 1, 128, 128>}, {transform_indices = @transform_10, window_bounds = array<i64: 1, 128, 128>}, {transform_indices = @transform_11, window_bounds = array<i64: 1, 128, 128>}, {transform_indices = @transform_12, window_bounds = array<i64: 1, 128, 128>}, {transform_indices = @transform_13, window_bounds = array<i64: 1, 128, 128>}, {transform_indices = @transform_14, window_bounds = array<i64: 1, 128, 128>}, {transform_indices = @transform_15, window_bounds = array<i64: 1, 128, 128>}, {pipeline_mode = #tpu.pipeline_mode<synchronous>, transform_indices = @transform_16, window_bounds = array<i64: 4104, 128>}, {pipeline_mode = #tpu.pipeline_mode<synchronous>, transform_indices = @transform_17, window_bounds = array<i64: 4104, 128>}]} {
    %get3A = arith.constant 0 : index
    %get3A_0 = arith.constant 0 : index
    %get3A_1 = arith.constant 0 : index
    %get3A_2 = vector.load %arg3[%get3A, %get3A_0, %get3A_1] : memref<1x128x128xf32, #tpu.memory_space<vmem>>, vector<1x128x128xf32>
    %get3A_3 = vector.shape_cast %get3A_2 : vector<1x128x128xf32> to vector<128x128xf32>
    %convert_element_type3A = arith.truncf %get3A_3 : vector<128x128xf32> to vector<128x128xbf16>
    %mul3A = arith.constant 16 : i32
    %mul3A_4 = arith.muli %arg0, %mul3A : i32
    %add3A = arith.constant 0 : i32
    %add3A_5 = arith.addi %mul3A_4, %add3A : i32
    %get3A_6 = arith.index_cast %add3A_5 : i32 to index
    %get3A_7 = memref.load %arg2[%get3A_6] : memref<1408xi32, #tpu.memory_space<smem>>
    %get3A_8 = arith.index_cast %get3A_7 : i32 to index
    %get3A_9 = arith.constant 0 : index
    %get3A_10 = vector.load %arg19[%get3A_8, %get3A_9] : memref<4104x128xf32, #tpu.memory_space<vmem>>, vector<8x128xf32>
    %convert_element_type3A_11 = arith.truncf %get3A_10 : vector<8x128xf32> to vector<8x128xbf16>
    %dot_general3A = arith.constant dense<0.000000e+00> : vector<8x128xf32>
    %dot_general3A_12 = tpu.matmul %convert_element_type3A_11, %convert_element_type3A, %dot_general3A {dimension_numbers = #tpu.dot_dimension_numbers<[1], [0], [0], [1], [0, 0, 1, 1], [], []>, transpose_lhs_hint = false} : vector<8x128xbf16>, vector<128x128xbf16>, vector<8x128xf32> -> vector<8x128xf32>
    %tanh3A = math.tanh %dot_general3A_12 : vector<8x128xf32>
    %swap3A = arith.index_cast %get3A_7 : i32 to index
    %swap3A_13 = arith.constant 0 : index
    %swap3A_14 = vector.load %arg20[%swap3A, %swap3A_13] : memref<4104x128xf32, #tpu.memory_space<vmem>>, vector<8x128xf32>
    tpu.vector_store %arg20[%swap3A, %swap3A_13], %tanh3A {strides = array<i32>} : memref<4104x128xf32, #tpu.memory_space<vmem>>, vector<8x128xf32>,
    %get3A_15 = arith.constant 0 : index
    %get3A_16 = arith.constant 0 : index
    %get3A_17 = arith.constant 0 : index
    %get3A_18 = vector.load %arg4[%get3A_15, %get3A_16, %get3A_17] : memref<1x128x128xf32, #tpu.memory_space<vmem>>, vector<1x128x128xf32>
    %get3A_19 = vector.shape_cast %get3A_18 : vector<1x128x128xf32> to vector<128x128xf32>
    %convert_element_type3A_20 = arith.truncf %get3A_19 : vector<128x128xf32> to vector<128x128xbf16>
    %mul3A_21 = arith.constant 16 : i32
    %mul3A_22 = arith.muli %arg0, %mul3A_21 : i32
    %add3A_23 = arith.constant 1 : i32
    %add3A_24 = arith.addi %mul3A_22, %add3A_23 : i32
    %get3A_25 = arith.index_cast %add3A_24 : i32 to index
    %get3A_26 = memref.load %arg2[%get3A_25] : memref<1408xi32, #tpu.memory_space<smem>>
    %get3A_27 = arith.index_cast %get3A_26 : i32 to index
    %get3A_28 = arith.constant 0 : index
    %get3A_29 = vector.load %arg19[%get3A_27, %get3A_28] : memref<4104x128xf32, #tpu.memory_space<vmem>>, vector<8x128xf32>
    %convert_element_type3A_30 = arith.truncf %get3A_29 : vector<8x128xf32> to vector<8x128xbf16>
    %dot_general3A_31 = arith.constant dense<0.000000e+00> : vector<8x128xf32>
    %dot_general3A_32 = tpu.matmul %convert_element_type3A_30, %convert_element_type3A_20, %dot_general3A_31 {dimension_numbers = #tpu.dot_dimension_numbers<[1], [0], [0], [1], [0, 0, 1, 1], [], []>, transpose_lhs_hint = false} : vector<8x128xbf16>, vector<128x128xbf16>, vector<8x128xf32> -> vector<8x128xf32>
    %tanh3A_33 = math.tanh %dot_general3A_32 : vector<8x128xf32>
    %swap3A_34 = arith.index_cast %get3A_26 : i32 to index
    %swap3A_35 = arith.constant 0 : index
    %swap3A_36 = vector.load %arg20[%swap3A_34, %swap3A_35] : memref<4104x128xf32, #tpu.memory_space<vmem>>, vector<8x128xf32>
    tpu.vector_store %arg20[%swap3A_34, %swap3A_35], %tanh3A_33 {strides = array<i32>} : memref<4104x128xf32, #tpu.memory_space<vmem>>, vector<8x128xf32>,
    %get3A_37 = arith.constant 0 : index
    %get3A_38 = arith.constant 0 : index
    %get3A_39 = arith.constant 0 : index
    %get3A_40 = vector.load %arg5[%get3A_37, %get3A_38, %get3A_39] : memref<1x128x128xf32, #tpu.memory_space<vmem>>, vector<1x128x128xf32>
    %get3A_41 = vector.shape_cast %get3A_40 : vector<1x128x128xf32> to vector<128x128xf32>
    %convert_element_type3A_42 = arith.truncf %get3A_41 : vector<128x128xf32> to vector<128x128xbf16>
    %mul3A_43 = arith.constant 16 : i32
    %mul3A_44 = arith.muli %arg0, %mul3A_43 : i32
    %add3A_45 = arith.constant 2 : i32
    %add3A_46 = arith.addi %mul3A_44, %add3A_45 : i32
    %get3A_47 = arith.index_cast %add3A_46 : i32 to index
    %get3A_48 = memref.load %arg2[%get3A_47] : memref<1408xi32, #tpu.memory_space<smem>>
    %get3A_49 = arith.index_cast %get3A_48 : i32 to index
    %get3A_50 = arith.constant 0 : index
    %get3A_51 = vector.load %arg19[%get3A_49, %get3A_50] : memref<4104x128xf32, #tpu.memory_space<vmem>>, vector<8x128xf32>
    %convert_element_type3A_52 = arith.truncf %get3A_51 : vector<8x128xf32> to vector<8x128xbf16>
    %dot_general3A_53 = arith.constant dense<0.000000e+00> : vector<8x128xf32>
    %dot_general3A_54 = tpu.matmul %convert_element_type3A_52, %convert_element_type3A_42, %dot_general3A_53 {dimension_numbers = #tpu.dot_dimension_numbers<[1], [0], [0], [1], [0, 0, 1, 1], [], []>, transpose_lhs_hint = false} : vector<8x128xbf16>, vector<128x128xbf16>, vector<8x128xf32> -> vector<8x128xf32>
    %tanh3A_55 = math.tanh %dot_general3A_54 : vector<8x128xf32>
    %swap3A_56 = arith.index_cast %get3A_48 : i32 to index
    %swap3A_57 = arith.constant 0 : index
    %swap3A_58 = vector.load %arg20[%swap3A_56, %swap3A_57] : memref<4104x128xf32, #tpu.memory_space<vmem>>, vector<8x128xf32>
    tpu.vector_store %arg20[%swap3A_56, %swap3A_57], %tanh3A_55 {strides = array<i32>} : memref<4104x128xf32, #tpu.memory_space<vmem>>, vector<8x128xf32>,
    %get3A_59 = arith.constant 0 : index
    %get3A_60 = arith.constant 0 : index
    %get3A_61 = arith.constant 0 : index
    %get3A_62 = vector.load %arg6[%get3A_59, %get3A_60, %get3A_61] : memref<1x128x128xf32, #tpu.memory_space<vmem>>, vector<1x128x128xf32>
    %get3A_63 = vector.shape_cast %get3A_62 : vector<1x128x128xf32> to vector<128x128xf32>
    %convert_element_type3A_64 = arith.truncf %get3A_63 : vector<128x128xf32> to vector<128x128xbf16>
    %mul3A_65 = arith.constant 16 : i32
    %mul3A_66 = arith.muli %arg0, %mul3A_65 : i32
    %add3A_67 = arith.constant 3 : i32
    %add3A_68 = arith.addi %mul3A_66, %add3A_67 : i32
    %get3A_69 = arith.index_cast %add3A_68 : i32 to index
    %get3A_70 = memref.load %arg2[%get3A_69] : memref<1408xi32, #tpu.memory_space<smem>>
    %get3A_71 = arith.index_cast %get3A_70 : i32 to index
    %get3A_72 = arith.constant 0 : index
    %get3A_73 = vector.load %arg19[%get3A_71, %get3A_72] : memref<4104x128xf32, #tpu.memory_space<vmem>>, vector<8x128xf32>
    %convert_element_type3A_74 = arith.truncf %get3A_73 : vector<8x128xf32> to vector<8x128xbf16>
    %dot_general3A_75 = arith.constant dense<0.000000e+00> : vector<8x128xf32>
    %dot_general3A_76 = tpu.matmul %convert_element_type3A_74, %convert_element_type3A_64, %dot_general3A_75 {dimension_numbers = #tpu.dot_dimension_numbers<[1], [0], [0], [1], [0, 0, 1, 1], [], []>, transpose_lhs_hint = false} : vector<8x128xbf16>, vector<128x128xbf16>, vector<8x128xf32> -> vector<8x128xf32>
    %tanh3A_77 = math.tanh %dot_general3A_76 : vector<8x128xf32>
    %swap3A_78 = arith.index_cast %get3A_70 : i32 to index
    %swap3A_79 = arith.constant 0 : index
    %swap3A_80 = vector.load %arg20[%swap3A_78, %swap3A_79] : memref<4104x128xf32, #tpu.memory_space<vmem>>, vector<8x128xf32>
    tpu.vector_store %arg20[%swap3A_78, %swap3A_79], %tanh3A_77 {strides = array<i32>} : memref<4104x128xf32, #tpu.memory_space<vmem>>, vector<8x128xf32>,
    %get3A_81 = arith.constant 0 : index
    %get3A_82 = arith.constant 0 : index
    %get3A_83 = arith.constant 0 : index
    %get3A_84 = vector.load %arg7[%get3A_81, %get3A_82, %get3A_83] : memref<1x128x128xf32, #tpu.memory_space<vmem>>, vector<1x128x128xf32>
    %get3A_85 = vector.shape_cast %get3A_84 : vector<1x128x128xf32> to vector<128x128xf32>
    %convert_element_type3A_86 = arith.truncf %get3A_85 : vector<128x128xf32> to vector<128x128xbf16>
    %mul3A_87 = arith.constant 16 : i32
    %mul3A_88 = arith.muli %arg0, %mul3A_87 : i32
    %add3A_89 = arith.constant 4 : i32
    %add3A_90 = arith.addi %mul3A_88, %add3A_89 : i32
    %get3A_91 = arith.index_cast %add3A_90 : i32 to index
    %get3A_92 = memref.load %arg2[%get3A_91] : memref<1408xi32, #tpu.memory_space<smem>>
    %get3A_93 = arith.index_cast %get3A_92 : i32 to index
    %get3A_94 = arith.constant 0 : index
    %get3A_95 = vector.load %arg19[%get3A_93, %get3A_94] : memref<4104x128xf32, #tpu.memory_space<vmem>>, vector<8x128xf32>
    %convert_element_type3A_96 = arith.truncf %get3A_95 : vector<8x128xf32> to vector<8x128xbf16>
    %dot_general3A_97 = arith.constant dense<0.000000e+00> : vector<8x128xf32>
    %dot_general3A_98 = tpu.matmul %convert_element_type3A_96, %convert_element_type3A_86, %dot_general3A_97 {dimension_numbers = #tpu.dot_dimension_numbers<[1], [0], [0], [1], [0, 0, 1, 1], [], []>, transpose_lhs_hint = false} : vector<8x128xbf16>, vector<128x128xbf16>, vector<8x128xf32> -> vector<8x128xf32>
    %tanh3A_99 = math.tanh %dot_general3A_98 : vector<8x128xf32>
    %swap3A_100 = arith.index_cast %get3A_92 : i32 to index
    %swap3A_101 = arith.constant 0 : index
    %swap3A_102 = vector.load %arg20[%swap3A_100, %swap3A_101] : memref<4104x128xf32, #tpu.memory_space<vmem>>, vector<8x128xf32>
    tpu.vector_store %arg20[%swap3A_100, %swap3A_101], %tanh3A_99 {strides = array<i32>} : memref<4104x128xf32, #tpu.memory_space<vmem>>, vector<8x128xf32>,
    %get3A_103 = arith.constant 0 : index
    %get3A_104 = arith.constant 0 : index
    %get3A_105 = arith.constant 0 : index
    %get3A_106 = vector.load %arg8[%get3A_103, %get3A_104, %get3A_105] : memref<1x128x128xf32, #tpu.memory_space<vmem>>, vector<1x128x128xf32>
    %get3A_107 = vector.shape_cast %get3A_106 : vector<1x128x128xf32> to vector<128x128xf32>
    %convert_element_type3A_108 = arith.truncf %get3A_107 : vector<128x128xf32> to vector<128x128xbf16>
    %mul3A_109 = arith.constant 16 : i32
    %mul3A_110 = arith.muli %arg0, %mul3A_109 : i32
    %add3A_111 = arith.constant 5 : i32
    %add3A_112 = arith.addi %mul3A_110, %add3A_111 : i32
    %get3A_113 = arith.index_cast %add3A_112 : i32 to index
    %get3A_114 = memref.load %arg2[%get3A_113] : memref<1408xi32, #tpu.memory_space<smem>>
    %get3A_115 = arith.index_cast %get3A_114 : i32 to index
    %get3A_116 = arith.constant 0 : index
    %get3A_117 = vector.load %arg19[%get3A_115, %get3A_116] : memref<4104x128xf32, #tpu.memory_space<vmem>>, vector<8x128xf32>
    %convert_element_type3A_118 = arith.truncf %get3A_117 : vector<8x128xf32> to vector<8x128xbf16>
    %dot_general3A_119 = arith.constant dense<0.000000e+00> : vector<8x128xf32>
    %dot_general3A_120 = tpu.matmul %convert_element_type3A_118, %convert_element_type3A_108, %dot_general3A_119 {dimension_numbers = #tpu.dot_dimension_numbers<[1], [0], [0], [1], [0, 0, 1, 1], [], []>, transpose_lhs_hint = false} : vector<8x128xbf16>, vector<128x128xbf16>, vector<8x128xf32> -> vector<8x128xf32>
    %tanh3A_121 = math.tanh %dot_general3A_120 : vector<8x128xf32>
    %swap3A_122 = arith.index_cast %get3A_114 : i32 to index
    %swap3A_123 = arith.constant 0 : index
    %swap3A_124 = vector.load %arg20[%swap3A_122, %swap3A_123] : memref<4104x128xf32, #tpu.memory_space<vmem>>, vector<8x128xf32>
    tpu.vector_store %arg20[%swap3A_122, %swap3A_123], %tanh3A_121 {strides = array<i32>} : memref<4104x128xf32, #tpu.memory_space<vmem>>, vector<8x128xf32>,
    %get3A_125 = arith.constant 0 : index
    %get3A_126 = arith.constant 0 : index
    %get3A_127 = arith.constant 0 : index
    %get3A_128 = vector.load %arg9[%get3A_125, %get3A_126, %get3A_127] : memref<1x128x128xf32, #tpu.memory_space<vmem>>, vector<1x128x128xf32>
    %get3A_129 = vector.shape_cast %get3A_128 : vector<1x128x128xf32> to vector<128x128xf32>
    %convert_element_type3A_130 = arith.truncf %get3A_129 : vector<128x128xf32> to vector<128x128xbf16>
    %mul3A_131 = arith.constant 16 : i32
    %mul3A_132 = arith.muli %arg0, %mul3A_131 : i32
    %add3A_133 = arith.constant 6 : i32
    %add3A_134 = arith.addi %mul3A_132, %add3A_133 : i32
    %get3A_135 = arith.index_cast %add3A_134 : i32 to index
    %get3A_136 = memref.load %arg2[%get3A_135] : memref<1408xi32, #tpu.memory_space<smem>>
    %get3A_137 = arith.index_cast %get3A_136 : i32 to index
    %get3A_138 = arith.constant 0 : index
    %get3A_139 = vector.load %arg19[%get3A_137, %get3A_138] : memref<4104x128xf32, #tpu.memory_space<vmem>>, vector<8x128xf32>
    %convert_element_type3A_140 = arith.truncf %get3A_139 : vector<8x128xf32> to vector<8x128xbf16>
    %dot_general3A_141 = arith.constant dense<0.000000e+00> : vector<8x128xf32>
    %dot_general3A_142 = tpu.matmul %convert_element_type3A_140, %convert_element_type3A_130, %dot_general3A_141 {dimension_numbers = #tpu.dot_dimension_numbers<[1], [0], [0], [1], [0, 0, 1, 1], [], []>, transpose_lhs_hint = false} : vector<8x128xbf16>, vector<128x128xbf16>, vector<8x128xf32> -> vector<8x128xf32>
    %tanh3A_143 = math.tanh %dot_general3A_142 : vector<8x128xf32>
    %swap3A_144 = arith.index_cast %get3A_136 : i32 to index
    %swap3A_145 = arith.constant 0 : index
    %swap3A_146 = vector.load %arg20[%swap3A_144, %swap3A_145] : memref<4104x128xf32, #tpu.memory_space<vmem>>, vector<8x128xf32>
    tpu.vector_store %arg20[%swap3A_144, %swap3A_145], %tanh3A_143 {strides = array<i32>} : memref<4104x128xf32, #tpu.memory_space<vmem>>, vector<8x128xf32>,
    %get3A_147 = arith.constant 0 : index
    %get3A_148 = arith.constant 0 : index
    %get3A_149 = arith.constant 0 : index
    %get3A_150 = vector.load %arg10[%get3A_147, %get3A_148, %get3A_149] : memref<1x128x128xf32, #tpu.memory_space<vmem>>, vector<1x128x128xf32>
    %get3A_151 = vector.shape_cast %get3A_150 : vector<1x128x128xf32> to vector<128x128xf32>
    %convert_element_type3A_152 = arith.truncf %get3A_151 : vector<128x128xf32> to vector<128x128xbf16>
    %mul3A_153 = arith.constant 16 : i32
    %mul3A_154 = arith.muli %arg0, %mul3A_153 : i32
    %add3A_155 = arith.constant 7 : i32
    %add3A_156 = arith.addi %mul3A_154, %add3A_155 : i32
    %get3A_157 = arith.index_cast %add3A_156 : i32 to index
    %get3A_158 = memref.load %arg2[%get3A_157] : memref<1408xi32, #tpu.memory_space<smem>>
    %get3A_159 = arith.index_cast %get3A_158 : i32 to index
    %get3A_160 = arith.constant 0 : index
    %get3A_161 = vector.load %arg19[%get3A_159, %get3A_160] : memref<4104x128xf32, #tpu.memory_space<vmem>>, vector<8x128xf32>
    %convert_element_type3A_162 = arith.truncf %get3A_161 : vector<8x128xf32> to vector<8x128xbf16>
    %dot_general3A_163 = arith.constant dense<0.000000e+00> : vector<8x128xf32>
    %dot_general3A_164 = tpu.matmul %convert_element_type3A_162, %convert_element_type3A_152, %dot_general3A_163 {dimension_numbers = #tpu.dot_dimension_numbers<[1], [0], [0], [1], [0, 0, 1, 1], [], []>, transpose_lhs_hint = false} : vector<8x128xbf16>, vector<128x128xbf16>, vector<8x128xf32> -> vector<8x128xf32>
    %tanh3A_165 = math.tanh %dot_general3A_164 : vector<8x128xf32>
    %swap3A_166 = arith.index_cast %get3A_158 : i32 to index
    %swap3A_167 = arith.constant 0 : index
    %swap3A_168 = vector.load %arg20[%swap3A_166, %swap3A_167] : memref<4104x128xf32, #tpu.memory_space<vmem>>, vector<8x128xf32>
    tpu.vector_store %arg20[%swap3A_166, %swap3A_167], %tanh3A_165 {strides = array<i32>} : memref<4104x128xf32, #tpu.memory_space<vmem>>, vector<8x128xf32>,
    %get3A_169 = arith.constant 0 : index
    %get3A_170 = arith.constant 0 : index
    %get3A_171 = arith.constant 0 : index
    %get3A_172 = vector.load %arg11[%get3A_169, %get3A_170, %get3A_171] : memref<1x128x128xf32, #tpu.memory_space<vmem>>, vector<1x128x128xf32>
    %get3A_173 = vector.shape_cast %get3A_172 : vector<1x128x128xf32> to vector<128x128xf32>
    %convert_element_type3A_174 = arith.truncf %get3A_173 : vector<128x128xf32> to vector<128x128xbf16>
    %mul3A_175 = arith.constant 16 : i32
    %mul3A_176 = arith.muli %arg0, %mul3A_175 : i32
    %add3A_177 = arith.constant 8 : i32
    %add3A_178 = arith.addi %mul3A_176, %add3A_177 : i32
    %get3A_179 = arith.index_cast %add3A_178 : i32 to index
    %get3A_180 = memref.load %arg2[%get3A_179] : memref<1408xi32, #tpu.memory_space<smem>>
    %get3A_181 = arith.index_cast %get3A_180 : i32 to index
    %get3A_182 = arith.constant 0 : index
    %get3A_183 = vector.load %arg19[%get3A_181, %get3A_182] : memref<4104x128xf32, #tpu.memory_space<vmem>>, vector<8x128xf32>
    %convert_element_type3A_184 = arith.truncf %get3A_183 : vector<8x128xf32> to vector<8x128xbf16>
    %dot_general3A_185 = arith.constant dense<0.000000e+00> : vector<8x128xf32>
    %dot_general3A_186 = tpu.matmul %convert_element_type3A_184, %convert_element_type3A_174, %dot_general3A_185 {dimension_numbers = #tpu.dot_dimension_numbers<[1], [0], [0], [1], [0, 0, 1, 1], [], []>, transpose_lhs_hint = false} : vector<8x128xbf16>, vector<128x128xbf16>, vector<8x128xf32> -> vector<8x128xf32>
    %tanh3A_187 = math.tanh %dot_general3A_186 : vector<8x128xf32>
    %swap3A_188 = arith.index_cast %get3A_180 : i32 to index
    %swap3A_189 = arith.constant 0 : index
    %swap3A_190 = vector.load %arg20[%swap3A_188, %swap3A_189] : memref<4104x128xf32, #tpu.memory_space<vmem>>, vector<8x128xf32>
    tpu.vector_store %arg20[%swap3A_188, %swap3A_189], %tanh3A_187 {strides = array<i32>} : memref<4104x128xf32, #tpu.memory_space<vmem>>, vector<8x128xf32>,
    %get3A_191 = arith.constant 0 : index
    %get3A_192 = arith.constant 0 : index
    %get3A_193 = arith.constant 0 : index
    %get3A_194 = vector.load %arg12[%get3A_191, %get3A_192, %get3A_193] : memref<1x128x128xf32, #tpu.memory_space<vmem>>, vector<1x128x128xf32>
    %get3A_195 = vector.shape_cast %get3A_194 : vector<1x128x128xf32> to vector<128x128xf32>
    %convert_element_type3A_196 = arith.truncf %get3A_195 : vector<128x128xf32> to vector<128x128xbf16>
    %mul3A_197 = arith.constant 16 : i32
    %mul3A_198 = arith.muli %arg0, %mul3A_197 : i32
    %add3A_199 = arith.constant 9 : i32
    %add3A_200 = arith.addi %mul3A_198, %add3A_199 : i32
    %get3A_201 = arith.index_cast %add3A_200 : i32 to index
    %get3A_202 = memref.load %arg2[%get3A_201] : memref<1408xi32, #tpu.memory_space<smem>>
    %get3A_203 = arith.index_cast %get3A_202 : i32 to index
    %get3A_204 = arith.constant 0 : index
    %get3A_205 = vector.load %arg19[%get3A_203, %get3A_204] : memref<4104x128xf32, #tpu.memory_space<vmem>>, vector<8x128xf32>
    %convert_element_type3A_206 = arith.truncf %get3A_205 : vector<8x128xf32> to vector<8x128xbf16>
    %dot_general3A_207 = arith.constant dense<0.000000e+00> : vector<8x128xf32>
    %dot_general3A_208 = tpu.matmul %convert_element_type3A_206, %convert_element_type3A_196, %dot_general3A_207 {dimension_numbers = #tpu.dot_dimension_numbers<[1], [0], [0], [1], [0, 0, 1, 1], [], []>, transpose_lhs_hint = false} : vector<8x128xbf16>, vector<128x128xbf16>, vector<8x128xf32> -> vector<8x128xf32>
    %tanh3A_209 = math.tanh %dot_general3A_208 : vector<8x128xf32>
    %swap3A_210 = arith.index_cast %get3A_202 : i32 to index
    %swap3A_211 = arith.constant 0 : index
    %swap3A_212 = vector.load %arg20[%swap3A_210, %swap3A_211] : memref<4104x128xf32, #tpu.memory_space<vmem>>, vector<8x128xf32>
    tpu.vector_store %arg20[%swap3A_210, %swap3A_211], %tanh3A_209 {strides = array<i32>} : memref<4104x128xf32, #tpu.memory_space<vmem>>, vector<8x128xf32>,
    %get3A_213 = arith.constant 0 : index
    %get3A_214 = arith.constant 0 : index
    %get3A_215 = arith.constant 0 : index
    %get3A_216 = vector.load %arg13[%get3A_213, %get3A_214, %get3A_215] : memref<1x128x128xf32, #tpu.memory_space<vmem>>, vector<1x128x128xf32>
    %get3A_217 = vector.shape_cast %get3A_216 : vector<1x128x128xf32> to vector<128x128xf32>
    %convert_element_type3A_218 = arith.truncf %get3A_217 : vector<128x128xf32> to vector<128x128xbf16>
    %mul3A_219 = arith.constant 16 : i32
    %mul3A_220 = arith.muli %arg0, %mul3A_219 : i32
    %add3A_221 = arith.constant 10 : i32
    %add3A_222 = arith.addi %mul3A_220, %add3A_221 : i32
    %get3A_223 = arith.index_cast %add3A_222 : i32 to index
    %get3A_224 = memref.load %arg2[%get3A_223] : memref<1408xi32, #tpu.memory_space<smem>>
    %get3A_225 = arith.index_cast %get3A_224 : i32 to index
    %get3A_226 = arith.constant 0 : index
    %get3A_227 = vector.load %arg19[%get3A_225, %get3A_226] : memref<4104x128xf32, #tpu.memory_space<vmem>>, vector<8x128xf32>
    %convert_element_type3A_228 = arith.truncf %get3A_227 : vector<8x128xf32> to vector<8x128xbf16>
    %dot_general3A_229 = arith.constant dense<0.000000e+00> : vector<8x128xf32>
    %dot_general3A_230 = tpu.matmul %convert_element_type3A_228, %convert_element_type3A_218, %dot_general3A_229 {dimension_numbers = #tpu.dot_dimension_numbers<[1], [0], [0], [1], [0, 0, 1, 1], [], []>, transpose_lhs_hint = false} : vector<8x128xbf16>, vector<128x128xbf16>, vector<8x128xf32> -> vector<8x128xf32>
    %tanh3A_231 = math.tanh %dot_general3A_230 : vector<8x128xf32>
    %swap3A_232 = arith.index_cast %get3A_224 : i32 to index
    %swap3A_233 = arith.constant 0 : index
    %swap3A_234 = vector.load %arg20[%swap3A_232, %swap3A_233] : memref<4104x128xf32, #tpu.memory_space<vmem>>, vector<8x128xf32>
    tpu.vector_store %arg20[%swap3A_232, %swap3A_233], %tanh3A_231 {strides = array<i32>} : memref<4104x128xf32, #tpu.memory_space<vmem>>, vector<8x128xf32>,
    %get3A_235 = arith.constant 0 : index
    %get3A_236 = arith.constant 0 : index
    %get3A_237 = arith.constant 0 : index
    %get3A_238 = vector.load %arg14[%get3A_235, %get3A_236, %get3A_237] : memref<1x128x128xf32, #tpu.memory_space<vmem>>, vector<1x128x128xf32>
    %get3A_239 = vector.shape_cast %get3A_238 : vector<1x128x128xf32> to vector<128x128xf32>
    %convert_element_type3A_240 = arith.truncf %get3A_239 : vector<128x128xf32> to vector<128x128xbf16>
    %mul3A_241 = arith.constant 16 : i32
    %mul3A_242 = arith.muli %arg0, %mul3A_241 : i32
    %add3A_243 = arith.constant 11 : i32
    %add3A_244 = arith.addi %mul3A_242, %add3A_243 : i32
    %get3A_245 = arith.index_cast %add3A_244 : i32 to index
    %get3A_246 = memref.load %arg2[%get3A_245] : memref<1408xi32, #tpu.memory_space<smem>>
    %get3A_247 = arith.index_cast %get3A_246 : i32 to index
    %get3A_248 = arith.constant 0 : index
    %get3A_249 = vector.load %arg19[%get3A_247, %get3A_248] : memref<4104x128xf32, #tpu.memory_space<vmem>>, vector<8x128xf32>
    %convert_element_type3A_250 = arith.truncf %get3A_249 : vector<8x128xf32> to vector<8x128xbf16>
    %dot_general3A_251 = arith.constant dense<0.000000e+00> : vector<8x128xf32>
    %dot_general3A_252 = tpu.matmul %convert_element_type3A_250, %convert_element_type3A_240, %dot_general3A_251 {dimension_numbers = #tpu.dot_dimension_numbers<[1], [0], [0], [1], [0, 0, 1, 1], [], []>, transpose_lhs_hint = false} : vector<8x128xbf16>, vector<128x128xbf16>, vector<8x128xf32> -> vector<8x128xf32>
    %tanh3A_253 = math.tanh %dot_general3A_252 : vector<8x128xf32>
    %swap3A_254 = arith.index_cast %get3A_246 : i32 to index
    %swap3A_255 = arith.constant 0 : index
    %swap3A_256 = vector.load %arg20[%swap3A_254, %swap3A_255] : memref<4104x128xf32, #tpu.memory_space<vmem>>, vector<8x128xf32>
    tpu.vector_store %arg20[%swap3A_254, %swap3A_255], %tanh3A_253 {strides = array<i32>} : memref<4104x128xf32, #tpu.memory_space<vmem>>, vector<8x128xf32>,
    %get3A_257 = arith.constant 0 : index
    %get3A_258 = arith.constant 0 : index
    %get3A_259 = arith.constant 0 : index
    %get3A_260 = vector.load %arg15[%get3A_257, %get3A_258, %get3A_259] : memref<1x128x128xf32, #tpu.memory_space<vmem>>, vector<1x128x128xf32>
    %get3A_261 = vector.shape_cast %get3A_260 : vector<1x128x128xf32> to vector<128x128xf32>
    %convert_element_type3A_262 = arith.truncf %get3A_261 : vector<128x128xf32> to vector<128x128xbf16>
    %mul3A_263 = arith.constant 16 : i32
    %mul3A_264 = arith.muli %arg0, %mul3A_263 : i32
    %add3A_265 = arith.constant 12 : i32
    %add3A_266 = arith.addi %mul3A_264, %add3A_265 : i32
    %get3A_267 = arith.index_cast %add3A_266 : i32 to index
    %get3A_268 = memref.load %arg2[%get3A_267] : memref<1408xi32, #tpu.memory_space<smem>>
    %get3A_269 = arith.index_cast %get3A_268 : i32 to index
    %get3A_270 = arith.constant 0 : index
    %get3A_271 = vector.load %arg19[%get3A_269, %get3A_270] : memref<4104x128xf32, #tpu.memory_space<vmem>>, vector<8x128xf32>
    %convert_element_type3A_272 = arith.truncf %get3A_271 : vector<8x128xf32> to vector<8x128xbf16>
    %dot_general3A_273 = arith.constant dense<0.000000e+00> : vector<8x128xf32>
    %dot_general3A_274 = tpu.matmul %convert_element_type3A_272, %convert_element_type3A_262, %dot_general3A_273 {dimension_numbers = #tpu.dot_dimension_numbers<[1], [0], [0], [1], [0, 0, 1, 1], [], []>, transpose_lhs_hint = false} : vector<8x128xbf16>, vector<128x128xbf16>, vector<8x128xf32> -> vector<8x128xf32>
    %tanh3A_275 = math.tanh %dot_general3A_274 : vector<8x128xf32>
    %swap3A_276 = arith.index_cast %get3A_268 : i32 to index
    %swap3A_277 = arith.constant 0 : index
    %swap3A_278 = vector.load %arg20[%swap3A_276, %swap3A_277] : memref<4104x128xf32, #tpu.memory_space<vmem>>, vector<8x128xf32>
    tpu.vector_store %arg20[%swap3A_276, %swap3A_277], %tanh3A_275 {strides = array<i32>} : memref<4104x128xf32, #tpu.memory_space<vmem>>, vector<8x128xf32>,
    %get3A_279 = arith.constant 0 : index
    %get3A_280 = arith.constant 0 : index
    %get3A_281 = arith.constant 0 : index
    %get3A_282 = vector.load %arg16[%get3A_279, %get3A_280, %get3A_281] : memref<1x128x128xf32, #tpu.memory_space<vmem>>, vector<1x128x128xf32>
    %get3A_283 = vector.shape_cast %get3A_282 : vector<1x128x128xf32> to vector<128x128xf32>
    %convert_element_type3A_284 = arith.truncf %get3A_283 : vector<128x128xf32> to vector<128x128xbf16>
    %mul3A_285 = arith.constant 16 : i32
    %mul3A_286 = arith.muli %arg0, %mul3A_285 : i32
    %add3A_287 = arith.constant 13 : i32
    %add3A_288 = arith.addi %mul3A_286, %add3A_287 : i32
    %get3A_289 = arith.index_cast %add3A_288 : i32 to index
    %get3A_290 = memref.load %arg2[%get3A_289] : memref<1408xi32, #tpu.memory_space<smem>>
    %get3A_291 = arith.index_cast %get3A_290 : i32 to index
    %get3A_292 = arith.constant 0 : index
    %get3A_293 = vector.load %arg19[%get3A_291, %get3A_292] : memref<4104x128xf32, #tpu.memory_space<vmem>>, vector<8x128xf32>
    %convert_element_type3A_294 = arith.truncf %get3A_293 : vector<8x128xf32> to vector<8x128xbf16>
    %dot_general3A_295 = arith.constant dense<0.000000e+00> : vector<8x128xf32>
    %dot_general3A_296 = tpu.matmul %convert_element_type3A_294, %convert_element_type3A_284, %dot_general3A_295 {dimension_numbers = #tpu.dot_dimension_numbers<[1], [0], [0], [1], [0, 0, 1, 1], [], []>, transpose_lhs_hint = false} : vector<8x128xbf16>, vector<128x128xbf16>, vector<8x128xf32> -> vector<8x128xf32>
    %tanh3A_297 = math.tanh %dot_general3A_296 : vector<8x128xf32>
    %swap3A_298 = arith.index_cast %get3A_290 : i32 to index
    %swap3A_299 = arith.constant 0 : index
    %swap3A_300 = vector.load %arg20[%swap3A_298, %swap3A_299] : memref<4104x128xf32, #tpu.memory_space<vmem>>, vector<8x128xf32>
    tpu.vector_store %arg20[%swap3A_298, %swap3A_299], %tanh3A_297 {strides = array<i32>} : memref<4104x128xf32, #tpu.memory_space<vmem>>, vector<8x128xf32>,
    %get3A_301 = arith.constant 0 : index
    %get3A_302 = arith.constant 0 : index
    %get3A_303 = arith.constant 0 : index
    %get3A_304 = vector.load %arg17[%get3A_301, %get3A_302, %get3A_303] : memref<1x128x128xf32, #tpu.memory_space<vmem>>, vector<1x128x128xf32>
    %get3A_305 = vector.shape_cast %get3A_304 : vector<1x128x128xf32> to vector<128x128xf32>
    %convert_element_type3A_306 = arith.truncf %get3A_305 : vector<128x128xf32> to vector<128x128xbf16>
    %mul3A_307 = arith.constant 16 : i32
    %mul3A_308 = arith.muli %arg0, %mul3A_307 : i32
    %add3A_309 = arith.constant 14 : i32
    %add3A_310 = arith.addi %mul3A_308, %add3A_309 : i32
    %get3A_311 = arith.index_cast %add3A_310 : i32 to index
    %get3A_312 = memref.load %arg2[%get3A_311] : memref<1408xi32, #tpu.memory_space<smem>>
    %get3A_313 = arith.index_cast %get3A_312 : i32 to index
    %get3A_314 = arith.constant 0 : index
    %get3A_315 = vector.load %arg19[%get3A_313, %get3A_314] : memref<4104x128xf32, #tpu.memory_space<vmem>>, vector<8x128xf32>
    %convert_element_type3A_316 = arith.truncf %get3A_315 : vector<8x128xf32> to vector<8x128xbf16>
    %dot_general3A_317 = arith.constant dense<0.000000e+00> : vector<8x128xf32>
    %dot_general3A_318 = tpu.matmul %convert_element_type3A_316, %convert_element_type3A_306, %dot_general3A_317 {dimension_numbers = #tpu.dot_dimension_numbers<[1], [0], [0], [1], [0, 0, 1, 1], [], []>, transpose_lhs_hint = false} : vector<8x128xbf16>, vector<128x128xbf16>, vector<8x128xf32> -> vector<8x128xf32>
    %tanh3A_319 = math.tanh %dot_general3A_318 : vector<8x128xf32>
    %swap3A_320 = arith.index_cast %get3A_312 : i32 to index
    %swap3A_321 = arith.constant 0 : index
    %swap3A_322 = vector.load %arg20[%swap3A_320, %swap3A_321] : memref<4104x128xf32, #tpu.memory_space<vmem>>, vector<8x128xf32>
    tpu.vector_store %arg20[%swap3A_320, %swap3A_321], %tanh3A_319 {strides = array<i32>} : memref<4104x128xf32, #tpu.memory_space<vmem>>, vector<8x128xf32>,
    %get3A_323 = arith.constant 0 : index
    %get3A_324 = arith.constant 0 : index
    %get3A_325 = arith.constant 0 : index
    %get3A_326 = vector.load %arg18[%get3A_323, %get3A_324, %get3A_325] : memref<1x128x128xf32, #tpu.memory_space<vmem>>, vector<1x128x128xf32>
    %get3A_327 = vector.shape_cast %get3A_326 : vector<1x128x128xf32> to vector<128x128xf32>
    %convert_element_type3A_328 = arith.truncf %get3A_327 : vector<128x128xf32> to vector<128x128xbf16>
    %mul3A_329 = arith.constant 16 : i32
    %mul3A_330 = arith.muli %arg0, %mul3A_329 : i32
    %add3A_331 = arith.constant 15 : i32
    %add3A_332 = arith.addi %mul3A_330, %add3A_331 : i32
    %get3A_333 = arith.index_cast %add3A_332 : i32 to index
    %get3A_334 = memref.load %arg2[%get3A_333] : memref<1408xi32, #tpu.memory_space<smem>>
    %get3A_335 = arith.index_cast %get3A_334 : i32 to index
    %get3A_336 = arith.constant 0 : index
    %get3A_337 = vector.load %arg19[%get3A_335, %get3A_336] : memref<4104x128xf32, #tpu.memory_space<vmem>>, vector<8x128xf32>
    %convert_element_type3A_338 = arith.truncf %get3A_337 : vector<8x128xf32> to vector<8x128xbf16>
    %dot_general3A_339 = arith.constant dense<0.000000e+00> : vector<8x128xf32>
    %dot_general3A_340 = tpu.matmul %convert_element_type3A_338, %convert_element_type3A_328, %dot_general3A_339 {dimension_numbers = #tpu.dot_dimension_numbers<[1], [0], [0], [1], [0, 0, 1, 1], [], []>, transpose_lhs_hint = false} : vector<8x128xbf16>, vector<128x128xbf16>, vector<8x128xf32> -> vector<8x128xf32>
    %tanh3A_341 = math.tanh %dot_general3A_340 : vector<8x128xf32>
    %swap3A_342 = arith.index_cast %get3A_334 : i32 to index
    %swap3A_343 = arith.constant 0 : index
    %swap3A_344 = vector.load %arg20[%swap3A_342, %swap3A_343] : memref<4104x128xf32, #tpu.memory_space<vmem>>, vector<8x128xf32>
    tpu.vector_store %arg20[%swap3A_342, %swap3A_343], %tanh3A_341 {strides = array<i32>} : memref<4104x128xf32, #tpu.memory_space<vmem>>, vector<8x128xf32>,
    return
  }
  func.func @transform_0(%arg0: i32, %arg1: memref<1408xi32, #tpu.memory_space<smem>>, %arg2: memref<1408xi32, #tpu.memory_space<smem>>) -> (i32, i32, i32) {
    %mul3A = arith.constant 16 : i32
    %mul3A_0 = arith.muli %arg0, %mul3A : i32
    %add3A = arith.constant 0 : i32
    %add3A_1 = arith.addi %mul3A_0, %add3A : i32
    %get3A = arith.index_cast %add3A_1 : i32 to index
    %get3A_2 = memref.load %arg1[%get3A] : memref<1408xi32, #tpu.memory_space<smem>>
    %c0_i32 = arith.constant 0 : i32
    %c0_i32_3 = arith.constant 0 : i32
    %c0_i32_4 = arith.constant 0 : i32
    return %get3A_2, %c0_i32, %c0_i32_3 : i32, i32, i32
  }
  func.func @transform_1(%arg0: i32, %arg1: memref<1408xi32, #tpu.memory_space<smem>>, %arg2: memref<1408xi32, #tpu.memory_space<smem>>) -> (i32, i32, i32) {
    %mul3A = arith.constant 16 : i32
    %mul3A_0 = arith.muli %arg0, %mul3A : i32
    %add3A = arith.constant 1 : i32
    %add3A_1 = arith.addi %mul3A_0, %add3A : i32
    %get3A = arith.index_cast %add3A_1 : i32 to index
    %get3A_2 = memref.load %arg1[%get3A] : memref<1408xi32, #tpu.memory_space<smem>>
    %c0_i32 = arith.constant 0 : i32
    %c0_i32_3 = arith.constant 0 : i32
    %c0_i32_4 = arith.constant 0 : i32
    return %get3A_2, %c0_i32, %c0_i32_3 : i32, i32, i32
  }
  func.func @transform_2(%arg0: i32, %arg1: memref<1408xi32, #tpu.memory_space<smem>>, %arg2: memref<1408xi32, #tpu.memory_space<smem>>) -> (i32, i32, i32) {
    %mul3A = arith.constant 16 : i32
    %mul3A_0 = arith.muli %arg0, %mul3A : i32
    %add3A = arith.constant 2 : i32
    %add3A_1 = arith.addi %mul3A_0, %add3A : i32
    %get3A = arith.index_cast %add3A_1 : i32 to index
    %get3A_2 = memref.load %arg1[%get3A] : memref<1408xi32, #tpu.memory_space<smem>>
    %c0_i32 = arith.constant 0 : i32
    %c0_i32_3 = arith.constant 0 : i32
    %c0_i32_4 = arith.constant 0 : i32
    return %get3A_2, %c0_i32, %c0_i32_3 : i32, i32, i32
  }
  func.func @transform_3(%arg0: i32, %arg1: memref<1408xi32, #tpu.memory_space<smem>>, %arg2: memref<1408xi32, #tpu.memory_space<smem>>) -> (i32, i32, i32) {
    %mul3A = arith.constant 16 : i32
    %mul3A_0 = arith.muli %arg0, %mul3A : i32
    %add3A = arith.constant 3 : i32
    %add3A_1 = arith.addi %mul3A_0, %add3A : i32
    %get3A = arith.index_cast %add3A_1 : i32 to index
    %get3A_2 = memref.load %arg1[%get3A] : memref<1408xi32, #tpu.memory_space<smem>>
    %c0_i32 = arith.constant 0 : i32
    %c0_i32_3 = arith.constant 0 : i32
    %c0_i32_4 = arith.constant 0 : i32
    return %get3A_2, %c0_i32, %c0_i32_3 : i32, i32, i32
  }
  func.func @transform_4(%arg0: i32, %arg1: memref<1408xi32, #tpu.memory_space<smem>>, %arg2: memref<1408xi32, #tpu.memory_space<smem>>) -> (i32, i32, i32) {
    %mul3A = arith.constant 16 : i32
    %mul3A_0 = arith.muli %arg0, %mul3A : i32
    %add3A = arith.constant 4 : i32
    %add3A_1 = arith.addi %mul3A_0, %add3A : i32
    %get3A = arith.index_cast %add3A_1 : i32 to index
    %get3A_2 = memref.load %arg1[%get3A] : memref<1408xi32, #tpu.memory_space<smem>>
    %c0_i32 = arith.constant 0 : i32
    %c0_i32_3 = arith.constant 0 : i32
    %c0_i32_4 = arith.constant 0 : i32
    return %get3A_2, %c0_i32, %c0_i32_3 : i32, i32, i32
  }
  func.func @transform_5(%arg0: i32, %arg1: memref<1408xi32, #tpu.memory_space<smem>>, %arg2: memref<1408xi32, #tpu.memory_space<smem>>) -> (i32, i32, i32) {
    %mul3A = arith.constant 16 : i32
    %mul3A_0 = arith.muli %arg0, %mul3A : i32
    %add3A = arith.constant 5 : i32
    %add3A_1 = arith.addi %mul3A_0, %add3A : i32
    %get3A = arith.index_cast %add3A_1 : i32 to index
    %get3A_2 = memref.load %arg1[%get3A] : memref<1408xi32, #tpu.memory_space<smem>>
    %c0_i32 = arith.constant 0 : i32
    %c0_i32_3 = arith.constant 0 : i32
    %c0_i32_4 = arith.constant 0 : i32
    return %get3A_2, %c0_i32, %c0_i32_3 : i32, i32, i32
  }
  func.func @transform_6(%arg0: i32, %arg1: memref<1408xi32, #tpu.memory_space<smem>>, %arg2: memref<1408xi32, #tpu.memory_space<smem>>) -> (i32, i32, i32) {
    %mul3A = arith.constant 16 : i32
    %mul3A_0 = arith.muli %arg0, %mul3A : i32
    %add3A = arith.constant 6 : i32
    %add3A_1 = arith.addi %mul3A_0, %add3A : i32
    %get3A = arith.index_cast %add3A_1 : i32 to index
    %get3A_2 = memref.load %arg1[%get3A] : memref<1408xi32, #tpu.memory_space<smem>>
    %c0_i32 = arith.constant 0 : i32
    %c0_i32_3 = arith.constant 0 : i32
    %c0_i32_4 = arith.constant 0 : i32
    return %get3A_2, %c0_i32, %c0_i32_3 : i32, i32, i32
  }
  func.func @transform_7(%arg0: i32, %arg1: memref<1408xi32, #tpu.memory_space<smem>>, %arg2: memref<1408xi32, #tpu.memory_space<smem>>) -> (i32, i32, i32) {
    %mul3A = arith.constant 16 : i32
    %mul3A_0 = arith.muli %arg0, %mul3A : i32
    %add3A = arith.constant 7 : i32
    %add3A_1 = arith.addi %mul3A_0, %add3A : i32
    %get3A = arith.index_cast %add3A_1 : i32 to index
    %get3A_2 = memref.load %arg1[%get3A] : memref<1408xi32, #tpu.memory_space<smem>>
    %c0_i32 = arith.constant 0 : i32
    %c0_i32_3 = arith.constant 0 : i32
    %c0_i32_4 = arith.constant 0 : i32
    return %get3A_2, %c0_i32, %c0_i32_3 : i32, i32, i32
  }
  func.func @transform_8(%arg0: i32, %arg1: memref<1408xi32, #tpu.memory_space<smem>>, %arg2: memref<1408xi32, #tpu.memory_space<smem>>) -> (i32, i32, i32) {
    %mul3A = arith.constant 16 : i32
    %mul3A_0 = arith.muli %arg0, %mul3A : i32
    %add3A = arith.constant 8 : i32
    %add3A_1 = arith.addi %mul3A_0, %add3A : i32
    %get3A = arith.index_cast %add3A_1 : i32 to index
    %get3A_2 = memref.load %arg1[%get3A] : memref<1408xi32, #tpu.memory_space<smem>>
    %c0_i32 = arith.constant 0 : i32
    %c0_i32_3 = arith.constant 0 : i32
    %c0_i32_4 = arith.constant 0 : i32
    return %get3A_2, %c0_i32, %c0_i32_3 : i32, i32, i32
  }
  func.func @transform_9(%arg0: i32, %arg1: memref<1408xi32, #tpu.memory_space<smem>>, %arg2: memref<1408xi32, #tpu.memory_space<smem>>) -> (i32, i32, i32) {
    %mul3A = arith.constant 16 : i32
    %mul3A_0 = arith.muli %arg0, %mul3A : i32
    %add3A = arith.constant 9 : i32
    %add3A_1 = arith.addi %mul3A_0, %add3A : i32
    %get3A = arith.index_cast %add3A_1 : i32 to index
    %get3A_2 = memref.load %arg1[%get3A] : memref<1408xi32, #tpu.memory_space<smem>>
    %c0_i32 = arith.constant 0 : i32
    %c0_i32_3 = arith.constant 0 : i32
    %c0_i32_4 = arith.constant 0 : i32
    return %get3A_2, %c0_i32, %c0_i32_3 : i32, i32, i32
  }
  func.func @transform_10(%arg0: i32, %arg1: memref<1408xi32, #tpu.memory_space<smem>>, %arg2: memref<1408xi32, #tpu.memory_space<smem>>) -> (i32, i32, i32) {
    %mul3A = arith.constant 16 : i32
    %mul3A_0 = arith.muli %arg0, %mul3A : i32
    %add3A = arith.constant 10 : i32
    %add3A_1 = arith.addi %mul3A_0, %add3A : i32
    %get3A = arith.index_cast %add3A_1 : i32 to index
    %get3A_2 = memref.load %arg1[%get3A] : memref<1408xi32, #tpu.memory_space<smem>>
    %c0_i32 = arith.constant 0 : i32
    %c0_i32_3 = arith.constant 0 : i32
    %c0_i32_4 = arith.constant 0 : i32
    return %get3A_2, %c0_i32, %c0_i32_3 : i32, i32, i32
  }
  func.func @transform_11(%arg0: i32, %arg1: memref<1408xi32, #tpu.memory_space<smem>>, %arg2: memref<1408xi32, #tpu.memory_space<smem>>) -> (i32, i32, i32) {
    %mul3A = arith.constant 16 : i32
    %mul3A_0 = arith.muli %arg0, %mul3A : i32
    %add3A = arith.constant 11 : i32
    %add3A_1 = arith.addi %mul3A_0, %add3A : i32
    %get3A = arith.index_cast %add3A_1 : i32 to index
    %get3A_2 = memref.load %arg1[%get3A] : memref<1408xi32, #tpu.memory_space<smem>>
    %c0_i32 = arith.constant 0 : i32
    %c0_i32_3 = arith.constant 0 : i32
    %c0_i32_4 = arith.constant 0 : i32
    return %get3A_2, %c0_i32, %c0_i32_3 : i32, i32, i32
  }
  func.func @transform_12(%arg0: i32, %arg1: memref<1408xi32, #tpu.memory_space<smem>>, %arg2: memref<1408xi32, #tpu.memory_space<smem>>) -> (i32, i32, i32) {
    %mul3A = arith.constant 16 : i32
    %mul3A_0 = arith.muli %arg0, %mul3A : i32
    %add3A = arith.constant 12 : i32
    %add3A_1 = arith.addi %mul3A_0, %add3A : i32
    %get3A = arith.index_cast %add3A_1 : i32 to index
    %get3A_2 = memref.load %arg1[%get3A] : memref<1408xi32, #tpu.memory_space<smem>>
    %c0_i32 = arith.constant 0 : i32
    %c0_i32_3 = arith.constant 0 : i32
    %c0_i32_4 = arith.constant 0 : i32
    return %get3A_2, %c0_i32, %c0_i32_3 : i32, i32, i32
  }
  func.func @transform_13(%arg0: i32, %arg1: memref<1408xi32, #tpu.memory_space<smem>>, %arg2: memref<1408xi32, #tpu.memory_space<smem>>) -> (i32, i32, i32) {
    %mul3A = arith.constant 16 : i32
    %mul3A_0 = arith.muli %arg0, %mul3A : i32
    %add3A = arith.constant 13 : i32
    %add3A_1 = arith.addi %mul3A_0, %add3A : i32
    %get3A = arith.index_cast %add3A_1 : i32 to index
    %get3A_2 = memref.load %arg1[%get3A] : memref<1408xi32, #tpu.memory_space<smem>>
    %c0_i32 = arith.constant 0 : i32
    %c0_i32_3 = arith.constant 0 : i32
    %c0_i32_4 = arith.constant 0 : i32
    return %get3A_2, %c0_i32, %c0_i32_3 : i32, i32, i32
  }
  func.func @transform_14(%arg0: i32, %arg1: memref<1408xi32, #tpu.memory_space<smem>>, %arg2: memref<1408xi32, #tpu.memory_space<smem>>) -> (i32, i32, i32) {
    %mul3A = arith.constant 16 : i32
    %mul3A_0 = arith.muli %arg0, %mul3A : i32
    %add3A = arith.constant 14 : i32
    %add3A_1 = arith.addi %mul3A_0, %add3A : i32
    %get3A = arith.index_cast %add3A_1 : i32 to index
    %get3A_2 = memref.load %arg1[%get3A] : memref<1408xi32, #tpu.memory_space<smem>>
    %c0_i32 = arith.constant 0 : i32
    %c0_i32_3 = arith.constant 0 : i32
    %c0_i32_4 = arith.constant 0 : i32
    return %get3A_2, %c0_i32, %c0_i32_3 : i32, i32, i32
  }
  func.func @transform_15(%arg0: i32, %arg1: memref<1408xi32, #tpu.memory_space<smem>>, %arg2: memref<1408xi32, #tpu.memory_space<smem>>) -> (i32, i32, i32) {
    %mul3A = arith.constant 16 : i32
    %mul3A_0 = arith.muli %arg0, %mul3A : i32
    %add3A = arith.constant 15 : i32
    %add3A_1 = arith.addi %mul3A_0, %add3A : i32
    %get3A = arith.index_cast %add3A_1 : i32 to index
    %get3A_2 = memref.load %arg1[%get3A] : memref<1408xi32, #tpu.memory_space<smem>>
    %c0_i32 = arith.constant 0 : i32
    %c0_i32_3 = arith.constant 0 : i32
    %c0_i32_4 = arith.constant 0 : i32
    return %get3A_2, %c0_i32, %c0_i32_3 : i32, i32, i32
  }
  func.func @transform_16(%arg0: i32, %arg1: memref<1408xi32, #tpu.memory_space<smem>>, %arg2: memref<1408xi32, #tpu.memory_space<smem>>) -> (i32, i32) {
    %c0_i32 = arith.constant 0 : i32
    %c0_i32_0 = arith.constant 0 : i32
    %c0_i32_1 = arith.constant 0 : i32
    return %c0_i32, %c0_i32_0 : i32, i32
  }
  func.func @transform_17(%arg0: i32, %arg1: memref<1408xi32, #tpu.memory_space<smem>>, %arg2: memref<1408xi32, #tpu.memory_space<smem>>) -> (i32, i32) {
    %c0_i32 = arith.constant 0 : i32
    %c0_i32_0 = arith.constant 0 : i32
    %c0_i32_1 = arith.constant 0 : i32
    return %c0_i32, %c0_i32_0 : i32, i32
  }
}

module attributes {stable_mosaic.version = 14 : i64} {
  func.func @_logits_body(%arg0: i32, %arg1: memref<512x128xf32, #tpu.memory_space<vmem>>, %arg2: memref<1000x128xbf16, #tpu.memory_space<vmem>>, %arg3: memref<1x1000xf32, #tpu.memory_space<vmem>>, %arg4: memref<512x1000xf32, #tpu.memory_space<vmem>>) attributes {dimension_semantics = [#tpu.dimension_semantics<arbitrary>], iteration_bounds = array<i64: 8>, scalar_prefetch = 0 : i64, scratch_operands = 0 : i64, tpu.core_type = #tpu.core_type<tc>, window_params = [{transform_indices = @transform_0, window_bounds = array<i64: 512, 128>}, {pipeline_mode = #tpu.pipeline_mode<synchronous>, transform_indices = @transform_1, window_bounds = array<i64: 1000, 128>}, {pipeline_mode = #tpu.pipeline_mode<synchronous>, transform_indices = @transform_2, window_bounds = array<i64: 1, 1000>}, {transform_indices = @transform_3, window_bounds = array<i64: 512, 1000>}]} {
    %get3A = arith.constant 0 : index
    %get3A_0 = arith.constant 0 : index
    %get3A_1 = vector.load %arg1[%get3A, %get3A_0] : memref<512x128xf32, #tpu.memory_space<vmem>>, vector<512x128xf32>
    %convert_element_type3A = arith.truncf %get3A_1 : vector<512x128xf32> to vector<512x128xbf16>
    %get3A_2 = arith.constant 0 : index
    %get3A_3 = arith.constant 0 : index
    %get3A_4 = vector.load %arg2[%get3A_2, %get3A_3] : memref<1000x128xbf16, #tpu.memory_space<vmem>>, vector<1000x128xbf16>
    %dot_general3A = arith.constant dense<0.000000e+00> : vector<512x1000xf32>
    %dot_general3A_5 = tpu.matmul %convert_element_type3A, %get3A_4, %dot_general3A {dimension_numbers = #tpu.dot_dimension_numbers<[1], [1], [0], [0], [0, 0, 1, 0], [], []>, transpose_lhs_hint = false} : vector<512x128xbf16>, vector<1000x128xbf16>, vector<512x1000xf32> -> vector<512x1000xf32>
    %get3A_6 = arith.constant 0 : index
    %get3A_7 = arith.constant 0 : index
    %get3A_8 = vector.load %arg3[%get3A_6, %get3A_7] : memref<1x1000xf32, #tpu.memory_space<vmem>>, vector<1x1000xf32>
    %add3A = vector.broadcast %get3A_8 : vector<1x1000xf32> to vector<512x1000xf32>
    %add3A_9 = arith.addf %dot_general3A_5, %add3A : vector<512x1000xf32>
    %logistic3A = arith.negf %add3A_9 : vector<512x1000xf32>
    %logistic3A_10 = math.exp %logistic3A : vector<512x1000xf32>
    %logistic3A_11 = arith.constant 1.000000e+00 : f32
    %logistic3A_12 = vector.broadcast %logistic3A_11 : f32 to vector<512x1000xf32>
    %logistic3A_13 = arith.addf %logistic3A_12, %logistic3A_10 : vector<512x1000xf32>
    %logistic3A_14 = arith.divf %logistic3A_12, %logistic3A_13 : vector<512x1000xf32>
    %swap3A = arith.constant 0 : index
    %swap3A_15 = arith.constant 0 : index
    %swap3A_16 = vector.load %arg4[%swap3A, %swap3A_15] : memref<512x1000xf32, #tpu.memory_space<vmem>>, vector<512x1000xf32>
    tpu.vector_store %arg4[%swap3A, %swap3A_15], %logistic3A_14 {strides = array<i32>} : memref<512x1000xf32, #tpu.memory_space<vmem>>, vector<512x1000xf32>,
    return
  }
  func.func @transform_0(%arg0: i32) -> (i32, i32) {
    %c0_i32 = arith.constant 0 : i32
    %c0_i32_0 = arith.constant 0 : i32
    return %arg0, %c0_i32 : i32, i32
  }
  func.func @transform_1(%arg0: i32) -> (i32, i32) {
    %c0_i32 = arith.constant 0 : i32
    %c0_i32_0 = arith.constant 0 : i32
    %c0_i32_1 = arith.constant 0 : i32
    return %c0_i32, %c0_i32_0 : i32, i32
  }
  func.func @transform_2(%arg0: i32) -> (i32, i32) {
    %c0_i32 = arith.constant 0 : i32
    %c0_i32_0 = arith.constant 0 : i32
    %c0_i32_1 = arith.constant 0 : i32
    return %c0_i32, %c0_i32_0 : i32, i32
  }
  func.func @transform_3(%arg0: i32) -> (i32, i32) {
    %c0_i32 = arith.constant 0 : i32
    %c0_i32_0 = arith.constant 0 : i32
    return %arg0, %c0_i32 : i32, i32
  }
}

</mosaic_0001>

<sc_bundles>
// kernel: gather_offload_async_start.1
scs
__scs_entry_jumppad:
0x0: {  	(pc) =	sbr.rel $0x88, $3  }
0x1: {  	(tag) =	ssettag $0x0;
	lr =	simm.s32 $0x1  }
0x2: {  	[smem:$0x3F9C] =	sst lr;
	_ =	strace $0xD0000000  }
0x3: {  	_ = 	snop  }
0x4: {  	_ = 	snop  }
0x5: {  	_ = 	snop  }
0x6: {  	_ = 	snop  }
0x7: {  	_ = 	snop  }
__scs_overlays_trampoline_lowered:
0x8: {  	[smem:$0x3FAB] =	sst s0  }
0x9: {  	[smem:$0x3FAC] =	sst s1  }
0xa: {  	[smem:$0x3FAD] =	sst s2  }
0xb: {  	[smem:$0x3FAE] =	sst s3  }
0xc: {  	[smem:$0x3FAF] =	sst s4  }
0xd: {  	[smem:$0x3FB0] =	sst s5  }
0xe: {  	[smem:$0x3FB1] =	sst s6  }
0xf: {  	[smem:$0x3FB2] =	sst s7  }
0x10: {  	[smem:$0x3FB3] =	sst s8  }
0x11: {  	[smem:$0x3FB4] =	sst s9;
	s0 =	simm.s32 @!p0 $0x0  }
0x12: {  	s1 =	sld [smem:$0x3F9A];
	s0 =	simm.s32 @p0 $0x1  }
0x13: {  	[smem:$0x3FB5] =	sst s0;
	s0 =	simm.s32 @!p1 $0x0  }
0x14: {  	s2 =	sld [smem:$0x3F99];
	s0 =	simm.s32 @p1 $0x1  }
0x15: {  	[smem:$0x3FB6] =	sst s0;
	s0 =	simm.s32 @!p2 $0x0  }
0x16: {  	s3 =	sld [smem:$0x3FDB];
	s0 =	simm.s32 @p2 $0x1  }
0x17: {  	s4 =	simm.s32 $0x1BF5;
	[smem:$0x3FB8] =	sst s0  }
0x18: {  	s0 =	sld [smem:$0x3F9B];
	_ =	swait.ge [sflag:s4], $0x0  }
0x19: {  	s7 =	sld [smem:$0x3F9C]  }
0x1a: {  	s8 =	sadd.s32 $0xFFFFE003, lr  }
0x1b: {  	s9 =	sadd.s32 $0xFFFFFEF7, lr;
	s5 =	simm.s32 $0xFFFFFFFF;
	p2 =	slt.u32 s8, $0xFFFFF086  }
0x1c: {  	p1 =	slt.u32 s9, $0xF7A;
	s5 =	simm.s32 @!p2 $0x0  }
0x1d: {  	s5 =	simm.s32 @p1 $0x1;
	p0 =	seq.s32 s7, s2  }
0x1e: {  	s7 =	smul.u32 @!p0 $0xF7A, s2;
	p2 =	seq.s32 @!p0 s5, $0x0  }
0x1f: {  	s9 =	smul.u32 $0xF7A, s1;
	s8 =	simm.s32 @!p0 $0x1BF5;
	p2 =	por !p2, p0  }
0x20: {  	[sflag:s8] =	ssyncset.s32 @!p0 $0xFFFFF086;
	s6 =	sadd.s32 @!p0 s3, s7;
	s7 =	simm.s32 @!p0 $0x108  }
0x21: {  	s3 =	sadd.s32 s3, s9;
	s6 =	sadd.s32 @!p0 $0x88, s6;
	s7 =	simm.s32 @p2 $0x1082  }
0x22: {  	[simem:s7], [sflag:s8] =	dma.local @!p0 [hbm:s6], $0xF7A  }
0x23: {  	s9 =	sor.u32 $0xD0000000, s2;
	s6 =	simm.s32 $0x108;
	_ =	swait.ge @!p0 [sflag:s8], $0x0  }
0x24: {  	s3 =	sadd.s32 $0x88, s3;
	s6 =	simm.s32 @!p1 $0x1082;
	[sflag:s4] =	ssyncset.s32 $0xFFFFF086  }
0x25: {  	[simem:s6], [sflag:s4] =	dma.local [hbm:s3], $0xF7A  }
0x26: {  	[smem:$0x3F9C] =	sst s1;
	(tag) =	ssettag s2;
	_ =	strace s9  }
0x27: {  	s1 =	sld [smem:$0x3FAC]  }
0x28: {  	s2 =	sld [smem:$0x3FAD]  }
0x29: {  	s4 =	sld [smem:$0x3FAF]  }
0x2a: {  	p0 =	seq.s32 s5, $0x0;
	s5 =	sld [smem:$0x3FB0]  }
0x2b: {  	s6 =	sld [smem:$0x3FB1]  }
0x2c: {  	s7 =	sld [smem:$0x3FB2]  }
0x2d: {  	s3 =	simm.s32 $0x108;
	s8 =	sld [smem:$0x3FB3]  }
0x2e: {  	s3 =	simm.s32 @!p0 $0x1082;
	s9 =	sld [smem:$0x3FB4]  }
0x2f: {  	lr =	sadd.s32 s0, s3;
	s0 =	sld [smem:$0x3FAB]  }
0x30: {  	s3 =	sld [smem:$0x3FAE]  }
0x31: {  	[smem:$0x3FB7] =	sst s10  }
0x32: {  	s10 =	sld [smem:$0x3FB5];
	_ =	sdelay $0x3  }
0x33: {  	p0 =	seq.s32 s10, $0x1;
	s10 =	sld [smem:$0x3FB7];
	_ =	sdelay $0x3  }
0x34: {  	[smem:$0x3FB7] =	sst s10  }
0x35: {  	s10 =	sld [smem:$0x3FB6];
	_ =	sdelay $0x3  }
0x36: {  	p1 =	seq.s32 s10, $0x1;
	s10 =	sld [smem:$0x3FB7];
	_ =	sdelay $0x3  }
0x37: {  	[smem:$0x3FB7] =	sst s10  }
0x38: {  	s10 =	sld [smem:$0x3FB8]  }
0x39: {  	_ = 	snop;
	(pc) =	sbr.ind lr, $3  }
0x3a: {  	_ = 	snop  }
0x3b: {  	_ = 	snop  }
0x3c: {  	p2 =	seq.s32 s10, $0x1;
	s10 =	sld [smem:$0x3FB7]  }
0x3d: {  	_ =	shalt  }
0x3e: {  	_ =	shalt  }
0x3f: {  	_ =	shalt  }
0x40: {  	_ =	shalt  }
0x41: {  	_ =	shalt  }
0x42: {  	_ =	shalt  }
0x43: {  	_ =	shalt  }
0x44: {  	_ =	shalt  }
0x45: {  	_ =	shalt  }
0x46: {  	_ =	shalt  }
0x47: {  	_ =	shalt  }
0x48: {  	_ =	shalt  }
0x49: {  	_ =	shalt  }
0x4a: {  	_ =	shalt  }
0x4b: {  	_ =	shalt  }
0x4c: {  	_ =	shalt  }
0x4d: {  	_ =	shalt  }
0x4e: {  	_ =	shalt  }
0x4f: {  	_ =	shalt  }
0x50: {  	_ =	shalt  }
0x51: {  	_ =	shalt  }
0x52: {  	_ =	shalt  }
0x53: {  	_ =	shalt  }
0x54: {  	_ =	shalt  }
0x55: {  	_ =	shalt  }
0x56: {  	_ =	shalt  }
0x57: {  	_ =	shalt  }
0x58: {  	_ =	shalt  }
0x59: {  	_ =	shalt  }
0x5a: {  	_ =	shalt  }
0x5b: {  	_ =	shalt  }
0x5c: {  	_ =	shalt  }
0x5d: {  	_ =	shalt  }
0x5e: {  	_ =	shalt  }
0x5f: {  	_ =	shalt  }
0x60: {  	_ =	shalt  }
0x61: {  	_ =	shalt  }
0x62: {  	_ =	shalt  }
0x63: {  	_ =	shalt  }
0x64: {  	_ =	shalt  }
0x65: {  	_ =	shalt  }
0x66: {  	_ =	shalt  }
0x67: {  	_ =	shalt  }
0x68: {  	_ =	shalt  }
0x69: {  	_ =	shalt  }
0x6a: {  	_ =	shalt  }
0x6b: {  	_ =	shalt  }
0x6c: {  	_ =	shalt  }
0x6d: {  	_ =	shalt  }
0x6e: {  	_ =	shalt  }
0x6f: {  	_ =	shalt  }
0x70: {  	_ =	shalt  }
0x71: {  	_ =	shalt  }
0x72: {  	_ =	shalt  }
0x73: {  	_ =	shalt  }
0x74: {  	_ =	shalt  }
0x75: {  	_ =	shalt  }
0x76: {  	_ =	shalt  }
0x77: {  	_ =	shalt  }
0x78: {  	_ =	shalt  }
0x79: {  	_ =	shalt  }
0x7a: {  	_ =	shalt  }
0x7b: {  	_ =	shalt  }
0x7c: {  	_ =	shalt  }
0x7d: {  	_ =	shalt  }
0x7e: {  	_ =	shalt  }
0x7f: {  	_ =	shalt  }
0x80: {  	_ =	shalt  }
0x81: {  	_ =	shalt  }
0x82: {  	_ =	shalt  }
0x83: {  	_ =	shalt  }
0x84: {  	_ =	shalt  }
0x85: {  	_ =	shalt  }
0x86: {  	_ =	shalt  }
0x87: {  	_ =	shalt  }
.Lfunc_end0:
.L_simem_size_0:
called_computation.1_lowered:
.L_overlay_start_0:
0x88: {  	s2 =	sld [smem:$0x3FD9]  }
0x89: {  	s3 =	sld [smem:$0x3FFE];
	_ =	sdelay $0x1  }
0x8a: {  	s1 =	srdreg.scid  }
0x8b: {  	s0 =	sand.u32 $0x1, s1  }
0x8c: {  	s17 =	sshll.u32 s0, $0xA;
	s2 =	sadd.s32 s3, s2  }
0x8d: {  	s2 =	sadd.s32 s2, s17  }
0x8e: {  	[smem:$0x3FC3] =	sst s2  }
0x8f: {  	_ = 	snop  }
0x90: {  	s2 =	sld [smem:$0x3FD0];
	(tm) =	ssettm $0x1  }
0x91: {  	s18 =	sld [smem:$0x3FFB];
	_ =	sdelay $0x3  }
0x92: {  	_ =	strace s18  }
0x93: {  	s3 =	sld [smem:$0x3FFC];
	_ =	sdelay $0x3  }
0x94: {  	_ =	strace s3  }
0x95: {  	s3 =	sld [smem:$0x3FFD];
	_ =	sdelay $0x3  }
0x96: {  	_ =	strace s3  }
0x97: {  	_ =	strace $0x8FFFFFFF  }
0x98: {  	s19 =	sld [smem:$0x3FDB];
	_ =	sdelay $0x1  }
0x99: {  	s4 =	simm.s32 $_scs_section_size  }
0x9a: {  	s5 =	simm.s32 $_size__tile_overlayer_lowered;
	s6 =	simm.s32 $_tile_overlayer_lowered  }
0x9b: {  	s22 =	simm.s32 $0x1BFF;
	s21 =	sshll.u32 s6, $0x1;
	s3 =	sadd.s32 s4, s19  }
0x9c: {  	s7 =	simm.s32 $0x0;
	s20 =	sshll.u32 s5, $0x1;
	s5 =	sadd.s32 s21, s3  }
0x9d: {  	[timem:s7], [sflag:s22] =	dma.local [hbm:s5], s20  }
0x9e: {  	_ =	swait.ge [sflag:s22], s20  }
0x9f: {  	s4 =	ssub.s32 $0x0, s20;
	[sflag:s22] =	ssyncset.done $0x0  }
0xa0: {  	[sflag:s22] =	ssyncadd.s32 s4;
	_ =	sdelay $0x1  }
0xa1: {  	s23 =	simm.s32 $0x1B8B  }
0xa2: {  	_ =	swait.ge [sflag:s23], $0x1  }
0xa3: {  	[sflag:s23] =	ssyncset.done $0x0  }
0xa4: {  	s25 =	simm.s32 $0x1B8E;
	s24 =	sld [smem:$0x3FFE];
	[sflag:s23] =	ssyncadd.s32 $0xFFFFFFFF  }
0xa5: {  	s26 =	simm.s32 $execute0_lowered;
	[smem:$0x3FD2] =	sst s25  }
0xa6: {  	s5 =	sshll.u32 s26, $0x1;
	_ =	strace $0x8000004C;
	[dreg:$0x1] =	wrdreg $0xFFFFFFFF  }
0xa7: {  	s28 =	simm.s32 $_size_execute0_lowered;
	s3 =	sadd.s32 s3, s5;
	[dreg:$0x0] =	wrdreg $0x0  }
0xa8: {  	s5 =	sshll.u32 s28, $0x1;
	[dreg:$0x2] =	wrdreg s3  }
0xa9: {  	[dreg:$0x3] =	wrdreg s5  }
0xaa: {  	[dreg:$0x4] =	wrdreg $0xC0  }
0xab: {  	_ =	task [dreg:s7], $0x5FFFF  }
0xac: {  	[dreg:$0x1] =	wrdreg $0xFFFFFFFF  }
0xad: {  	[dreg:$0x0] =	wrdreg $0x60  }
0xae: {  	[dreg:$0x2] =	wrdreg s2  }
0xaf: {  	[dreg:$0x3] =	wrdreg s24  }
0xb0: {  	[dreg:$0x4] =	wrdreg $0x9  }
0xb1: {  	_ =	task.clear_ibuf [dreg:s7], $0x5FFFF;
	_ =	strace $0x9000004C  }
0xb2: {  	s29 =	simm.s32 $0x9;
	_ =	strace $0x8000004E  }
0xb3: {  	_ =	swait.ge [sflag:s29], $0x1  }
0xb4: {  	[sflag:s29] =	ssyncadd.s32 $0xFFFFFFFF  }
0xb5: {  	_ =	strace $0x9000004E  }
0xb6: {  	_ =	sfence  }
0xb7: {  	s30 =	sld [smem:$0x0];
	_ =	sdelay $0x2  }
0xb8: {  	s31 =	sshll.u32 s1, $0xD;
	s1 =	sshrl.u32 s1, $0x2  }
0xb9: {  	s3 =	sand.u32 $0x4000, s31;
	s1 =	sadd.s32 s1, s30  }
0xba: {  	s0 =	sor.u32 s3, s0;
	s1 =	sshll.u32 s1, $0x11  }
0xbb: {  	s0 =	sor.u32 s1, s0  }
0xbc: {  	s0 =	sadd.s32 $0x8F2B, s0  }
0xbd: {  	[sflag:s0] =	ssyncadd.remote.s32 $0x1  }
0xbe: {  	_ =	sfence.sel $0xFFFF  }
0xbf: {  	[dreg:$0x0] =	wrdreg $0xFFFFFFFF;
	(pc) =	sbr.abs _section_cstart, $3  }
0xc0: {  	[dreg:$0x1] =	wrdreg $0xFFFFFFFF  }
0xc1: {  	_ =	task.clear_ibuf [dreg:s7], $0x2FFFF;
	_ =	strace $0x9FFFFFFF  }
0xc2: {  	(tm) =	ssettm $0x7FFFFFFF  }
0xc3: {  	_ =	shalt  }
tec
execute0_lowered:
.L_overlay_start_1:
0x0: {  	(tag) =	ssettag $0x1  }
0x1: {  	s2 =	rddreg [dreg:$0x0]  }
0x2: {  	s7 =	rddreg [dreg:$0x1]  }
0x3: {  	s0 =	rddreg [dreg:$0x2]  }
0x4: {  	s1 =	srdreg.scid;
	_ =	strace $0x8000004D;
	s4 =	simm.s32 $0x1  }
0x5: {  	s9 =	simm.s32 $0x3;
	s12 =	simm.s32 $0x0;
	s5 =	sshll.u32 s1, $0x4  }
.Ltmp0:
0x6: {  	s1 =	stileid.u32;
	s5 =	sand.u32 $0x10, s5;
	(pc) =	sbr.rel .LBB2_1-.Ltmp0, $4  }
0x7: {  	s10 =	simm.s32 $0x0;
	s3 =	sadd.s32 $0x2400, s7;
	s6 =	sor.u32 s1, s5  }
0x8: {  	[sflag:s4] =	ssyncpa.u1 $0x0;
	s5 =	simm.s32 $0x2;
	s6 =	sshll.u32 s6, $0x7  }
0x9: {  	s7 =	sadd.s32 $0x2600, s7;
	[sflag:s5] =	ssyncpa.u1 $0x0;
	s8 =	sadd.s32 $0x80, s6  }
0xa: {  	vm0 =	vmmov $0xff;
	vm1 =	vcmask $0x3F20;
	[sflag:s9] =	ssyncpa.u1 $0x0;
	s9 =	simm.s32 $0x80;
	s11 =	smov.u32 s6  }
.LBB2_9:
0xb: {  	p0 =	seq.s32 s10, $0x2  }
.Ltmp1:
0xc: {  	_ = 	snop;
	(pc) =	sbr.rel @p0 .LBB2_11-.Ltmp1, $1  }
0xd: {  	_ =	sdelay $0x3  }
.LBB2_10:
0xe: {  	s12 =	sadd.s32 $0x80, s11  }
0xf: {  	s13 =	smov.u32 s6;
	p0 =	slt.s32 s12, s8  }
0x10: {  	s13 =	smov.u32 @p0 s12  }
0x11: {  	s10 =	sadd.s32 $0x1, s10;
	s12 =	smov.u32 s11;
	s11 =	smov.u32 s13  }
.LBB2_1:
0x12: {  	p0 =	sne.s32 s10, $0x0  }
.Ltmp2:
0x13: {  	_ = 	snop;
	(pc) =	sbr.rel @!p0 .LBB2_2-.Ltmp2, $1  }
0x14: {  	_ =	sdelay $0x3  }
0x15: {  	s13 =	sand.u32 $0x1, s10  }
0x16: {  	p0 =	seq.s32 s13, $0x0  }
.Ltmp3:
0x17: {  	_ = 	snop;
	(pc) =	sbr.rel @p0 .LBB2_9-.Ltmp3, $1  }
0x18: {  	_ =	sdelay $0x3  }
0x19: {  	_ =	swait.ge [sflag:s5], $0x80  }
0x1a: {  	[sflag:s5] =	ssyncset.done $0x0  }
0x1b: {  	s13 =	simm.s32 $0x0;
	[sflag:s5] =	ssyncadd.s32 $0xFFFFFF80  }
0x1c: {  	v0 =	vld.msk [tilespmem:s13+$0x80 ss:$0x1], $0xffff;
	_ =	sdelay $0x4  }
0x1d: {  	vm2 =	vgt.s32 v0, $0x0  }
0x1e: {  	v0 =	vnsel vm2, $0x0, v0  }
0x1f: {  	v0 =	vmin.u32 v0, $0xFFF  }
0x20: {  	v0 =	vshll.u32 v0, $0x4;
	_ =	sdelay $0x3  }
0x21: {  	s13 =	simm.s32 $0x4100  }
0x22: {  	[tilespmem:s13], [sflag:$0x1] =	stream.indirect_vreg.gather [hbm:s2], $0x80, v0, vm0, $0x38;
	[tilespmem:$0x8100] =	vst v63  }
0x23: {  	s14 =	simm.s32 $0x4500;
	s31 =	simm.s32 $0x10  }
0x24: {  	[tilespmem:s14], [sflag:$0x1] =	stream.indirect_vreg.gather [hbm:s2], $0x80, v0, vm1, $0x38;
	[tilespmem:$0x8100] =	vst v63  }
0x25: {  	s14 =	simm.s32 $0x80;
	v0 =	vld.msk [tilespmem:s31+$0x80 ss:$0x1], $0xffff  }
.LBB2_5:
0x26: {  	p0 =	sne.s32 s14, $0x1C0;
	_ =	sdelay $0x4  }
0x27: {  	vm2 =	vgt.s32 v0, $0x0  }
0x28: {  	v0 =	vnsel vm2, $0x0, v0  }
0x29: {  	v0 =	vmin.u32 v0, $0xFFF  }
0x2a: {  	v0 =	vshll.u32 v0, $0x4;
	_ =	sdelay $0x3  }
.Ltmp4:
0x2b: {  	s13 =	sadd.s32 $0x800, s13;
	(pc) =	sbr.rel @p0 .LBB2_5-.Ltmp4, $4  }
0x2c: {  	[tilespmem:s13], [sflag:$0x1] =	stream.indirect_vreg.gather [hbm:s2], $0x80, v0, vm0, $0x38;
	[tilespmem:$0x8100] =	vst v63  }
0x2d: {  	s15 =	sshra.s32 s14, $0x2;
	s16 =	sadd.s32 $0x400, s13  }
0x2e: {  	[tilespmem:s16], [sflag:$0x1] =	stream.indirect_vreg.gather [hbm:s2], $0x80, v0, vm1, $0x38;
	[tilespmem:$0x8100] =	vst v63  }
0x2f: {  	s14 =	sadd.s32 $0x40, s14;
	v0 =	vld.msk [tilespmem:s15+$0x80 ss:$0x1], $0xffff  }
0x30: {  	_ =	sdelay $0x3  }
0x31: {  	vm2 =	vgt.s32 v0, $0x0  }
0x32: {  	v0 =	vnsel vm2, $0x0, v0  }
0x33: {  	v0 =	vmin.u32 v0, $0xFFF  }
0x34: {  	v0 =	vshll.u32 v0, $0x4;
	_ =	sdelay $0x3  }
0x35: {  	s13 =	sadd.s32 $0x800, s13  }
0x36: {  	[tilespmem:s13], [sflag:$0x1] =	stream.indirect_vreg.gather [hbm:s2], $0x80, v0, vm0, $0x38;
	[tilespmem:$0x8100] =	vst v63  }
0x37: {  	s13 =	sadd.s32 $0x400, s13  }
0x38: {  	[tilespmem:s13], [sflag:$0x1] =	stream.indirect_vreg.gather [hbm:s2], $0x80, v0, vm1, $0x38;
	[tilespmem:$0x8100] =	vst v63  }
0x39: {  	s12 =	sshll.u32 s12, $0x4;
	s14 =	simm.s32 $0x80;
	_ =	swait.ge [sflag:s4], $0x4000  }
0x3a: {  	s15 =	simm.s32 $0x4500;
	s12 =	sadd.s32 s12, s7;
	[sflag:s4] =	ssyncset.done $0x0  }
0x3b: {  	s16 =	sadd.s32 $0x0, s12;
	s13 =	simm.s32 $0x4100;
	[sflag:s4] =	ssyncadd.s32 $0xFFFFC000  }
.LBB2_7:
0x3c: {  	[hbm:s16] =	stream.linear.scatter [tilespmem:s13], [sflag:$0x3], $0x400, $0x38;
	[tilespmem:$0x8100] =	vst v63  }
0x3d: {  	s16 =	smov.u32 s14;
	s13 =	smov.u32 s15;
	p0 =	sne.s32 s14, $0x780  }
.Ltmp5:
0x3e: {  	s14 =	sadd.s32 $0x80, s14;
	(pc) =	sbr.rel @p0 .LBB2_7-.Ltmp5, $2  }
0x3f: {  	_ =	sdelay $0x2  }
0x40: {  	s15 =	sadd.s32 $0x400, s15;
	s16 =	sadd.s32 s16, s12  }
.Ltmp6:
0x41: {  	(pc) =	sbr.rel .LBB2_9-.Ltmp6, $2  }
0x42: {  	_ =	sdelay $0x2  }
0x43: {  	[hbm:s16] =	stream.linear.scatter [tilespmem:s13], [sflag:$0x3], $0x400, $0x38;
	[tilespmem:$0x8100] =	vst v63  }
.LBB2_2:
.Ltmp7:
0x44: {  	(pc) =	sbr.rel .LBB2_10-.Ltmp7, $4  }
0x45: {  	_ = 	snop  }
0x46: {  	s12 =	sshrl.u32 s11, $0x3  }
0x47: {  	s13 =	sand.u32 $0x7, s11;
	s12 =	sadd.s32 s3, s12  }
0x48: {  	[tilespmem:s9], [sflag:$0x2] =	stream.linear.gather [hbm4b:s12+s13], $0x80, $0x38;
	[tilespmem:$0x8100] =	vst v63  }
.LBB2_11:
0x49: {  	s2 =	simm.s32 $0x3  }
0x4a: {  	_ =	swait.ge [sflag:s2], $0x4000  }
0x4b: {  	[sflag:s2] =	ssyncset.done $0x0  }
0x4c: {  	[sflag:s2] =	ssyncadd.s32 $0xFFFFC000  }
0x4d: {  	_ =	sfence.sel $0x180000  }
0x4e: {  	s3 =	simm.s32 $0x2;
	[bflag:$0x0] =	sbarrier.arrive $0xFFFF  }
0x4f: {  	[sflag:s3] =	ssyncpa.u1 $0x1  }
0x50: {  	s31 =	simm.s32 $0x1;
	[sflag:s2] =	ssyncpa.u1 $0x1  }
0x51: {  	[sflag:s31] =	ssyncpa.u1 $0x1  }
0x52: {  	p0 =	sne.s32 s1, $0x0;
	_ =	strace $0x9000004D  }
0x53: {  	s0 =	sadd.s32 @!p0 $0x100000, s0;
	[bflag:$0x2] =	sbarrier.arrive $0xFFFF  }
0x54: {  	[sflag:s0] =	ssyncadd.tile.s32 @!p0 $0x1;
	_ =	shalt  }
.Lfunc_end2:
_tile_overlayer_lowered:
.L_overlay_start_2:
0x55: {  	(tag) =	ssettag $0x2  }
0x56: {  	s0 =	rddreg [dreg:$0x0];
	s2 =	stileid.u32  }
0x57: {  	s1 =	rddreg [dreg:$0x1];
	p0 =	sne.s32 s2, $0x0  }
0x58: {  	s3 =	rddreg [dreg:$0x2];
	[bflag:$0x3] =	sbarrier.arrive $0xFFFF;
	s2 =	simm.s32 @!p0 $0x1C01  }
0x59: {  	[timem:s3], [sflag:s2] =	dma.local @!p0 [hbm:s0], s1  }
0x5a: {  	s0 =	simm.s32 @!p0 $0x1  }
0x5b: {  	_ =	swait.ge @!p0 [sflag:s0], s1  }
0x5c: {  	s1 =	ssub.s32 @!p0 $0x0, s1;
	[sflag:s0] =	ssyncset.done @!p0 $0x0  }
0x5d: {  	[sflag:s0] =	ssyncadd.s32 @!p0 s1  }
0x5e: {  	[bflag:$0x3] =	sbarrier.arrive $0xFFFF  }
0x5f: {  	_ =	shalt  }

// kernel: gather_offload_async_start
scs
__scs_entry_jumppad:
0x0: {  	(pc) =	sbr.rel $0x88, $3  }
0x1: {  	(tag) =	ssettag $0x0;
	lr =	simm.s32 $0x1  }
0x2: {  	[smem:$0x3F9C] =	sst lr;
	_ =	strace $0xD0000000  }
0x3: {  	_ = 	snop  }
0x4: {  	_ = 	snop  }
0x5: {  	_ = 	snop  }
0x6: {  	_ = 	snop  }
0x7: {  	_ = 	snop  }
__scs_overlays_trampoline_lowered:
0x8: {  	[smem:$0x3FAB] =	sst s0  }
0x9: {  	[smem:$0x3FAC] =	sst s1  }
0xa: {  	[smem:$0x3FAD] =	sst s2  }
0xb: {  	[smem:$0x3FAE] =	sst s3  }
0xc: {  	[smem:$0x3FAF] =	sst s4  }
0xd: {  	[smem:$0x3FB0] =	sst s5  }
0xe: {  	[smem:$0x3FB1] =	sst s6  }
0xf: {  	[smem:$0x3FB2] =	sst s7  }
0x10: {  	[smem:$0x3FB3] =	sst s8  }
0x11: {  	[smem:$0x3FB4] =	sst s9;
	s0 =	simm.s32 @!p0 $0x0  }
0x12: {  	s1 =	sld [smem:$0x3F9A];
	s0 =	simm.s32 @p0 $0x1  }
0x13: {  	[smem:$0x3FB5] =	sst s0;
	s0 =	simm.s32 @!p1 $0x0  }
0x14: {  	s2 =	sld [smem:$0x3F99];
	s0 =	simm.s32 @p1 $0x1  }
0x15: {  	[smem:$0x3FB6] =	sst s0;
	s0 =	simm.s32 @!p2 $0x0  }
0x16: {  	s3 =	sld [smem:$0x3FDB];
	s0 =	simm.s32 @p2 $0x1  }
0x17: {  	s4 =	simm.s32 $0x1BF5;
	[smem:$0x3FB8] =	sst s0  }
0x18: {  	s0 =	sld [smem:$0x3F9B];
	_ =	swait.ge [sflag:s4], $0x0  }
0x19: {  	s7 =	sld [smem:$0x3F9C]  }
0x1a: {  	s8 =	sadd.s32 $0xFFFFE003, lr  }
0x1b: {  	s9 =	sadd.s32 $0xFFFFFEF7, lr;
	s5 =	simm.s32 $0xFFFFFFFF;
	p2 =	slt.u32 s8, $0xFFFFF086  }
0x1c: {  	p1 =	slt.u32 s9, $0xF7A;
	s5 =	simm.s32 @!p2 $0x0  }
0x1d: {  	s5 =	simm.s32 @p1 $0x1;
	p0 =	seq.s32 s7, s2  }
0x1e: {  	s7 =	smul.u32 @!p0 $0xF7A, s2;
	p2 =	seq.s32 @!p0 s5, $0x0  }
0x1f: {  	s9 =	smul.u32 $0xF7A, s1;
	s8 =	simm.s32 @!p0 $0x1BF5;
	p2 =	por !p2, p0  }
0x20: {  	[sflag:s8] =	ssyncset.s32 @!p0 $0xFFFFF086;
	s6 =	sadd.s32 @!p0 s3, s7;
	s7 =	simm.s32 @!p0 $0x108  }
0x21: {  	s3 =	sadd.s32 s3, s9;
	s6 =	sadd.s32 @!p0 $0x88, s6;
	s7 =	simm.s32 @p2 $0x1082  }
0x22: {  	[simem:s7], [sflag:s8] =	dma.local @!p0 [hbm:s6], $0xF7A  }
0x23: {  	s9 =	sor.u32 $0xD0000000, s2;
	s6 =	simm.s32 $0x108;
	_ =	swait.ge @!p0 [sflag:s8], $0x0  }
0x24: {  	s3 =	sadd.s32 $0x88, s3;
	s6 =	simm.s32 @!p1 $0x1082;
	[sflag:s4] =	ssyncset.s32 $0xFFFFF086  }
0x25: {  	[simem:s6], [sflag:s4] =	dma.local [hbm:s3], $0xF7A  }
0x26: {  	[smem:$0x3F9C] =	sst s1;
	(tag) =	ssettag s2;
	_ =	strace s9  }
0x27: {  	s1 =	sld [smem:$0x3FAC]  }
0x28: {  	s2 =	sld [smem:$0x3FAD]  }
0x29: {  	s4 =	sld [smem:$0x3FAF]  }
0x2a: {  	p0 =	seq.s32 s5, $0x0;
	s5 =	sld [smem:$0x3FB0]  }
0x2b: {  	s6 =	sld [smem:$0x3FB1]  }
0x2c: {  	s7 =	sld [smem:$0x3FB2]  }
0x2d: {  	s3 =	simm.s32 $0x108;
	s8 =	sld [smem:$0x3FB3]  }
0x2e: {  	s3 =	simm.s32 @!p0 $0x1082;
	s9 =	sld [smem:$0x3FB4]  }
0x2f: {  	lr =	sadd.s32 s0, s3;
	s0 =	sld [smem:$0x3FAB]  }
0x30: {  	s3 =	sld [smem:$0x3FAE]  }
0x31: {  	[smem:$0x3FB7] =	sst s10  }
0x32: {  	s10 =	sld [smem:$0x3FB5];
	_ =	sdelay $0x3  }
0x33: {  	p0 =	seq.s32 s10, $0x1;
	s10 =	sld [smem:$0x3FB7];
	_ =	sdelay $0x3  }
0x34: {  	[smem:$0x3FB7] =	sst s10  }
0x35: {  	s10 =	sld [smem:$0x3FB6];
	_ =	sdelay $0x3  }
0x36: {  	p1 =	seq.s32 s10, $0x1;
	s10 =	sld [smem:$0x3FB7];
	_ =	sdelay $0x3  }
0x37: {  	[smem:$0x3FB7] =	sst s10  }
0x38: {  	s10 =	sld [smem:$0x3FB8]  }
0x39: {  	_ = 	snop;
	(pc) =	sbr.ind lr, $3  }
0x3a: {  	_ = 	snop  }
0x3b: {  	_ = 	snop  }
0x3c: {  	p2 =	seq.s32 s10, $0x1;
	s10 =	sld [smem:$0x3FB7]  }
0x3d: {  	_ =	shalt  }
0x3e: {  	_ =	shalt  }
0x3f: {  	_ =	shalt  }
0x40: {  	_ =	shalt  }
0x41: {  	_ =	shalt  }
0x42: {  	_ =	shalt  }
0x43: {  	_ =	shalt  }
0x44: {  	_ =	shalt  }
0x45: {  	_ =	shalt  }
0x46: {  	_ =	shalt  }
0x47: {  	_ =	shalt  }
0x48: {  	_ =	shalt  }
0x49: {  	_ =	shalt  }
0x4a: {  	_ =	shalt  }
0x4b: {  	_ =	shalt  }
0x4c: {  	_ =	shalt  }
0x4d: {  	_ =	shalt  }
0x4e: {  	_ =	shalt  }
0x4f: {  	_ =	shalt  }
0x50: {  	_ =	shalt  }
0x51: {  	_ =	shalt  }
0x52: {  	_ =	shalt  }
0x53: {  	_ =	shalt  }
0x54: {  	_ =	shalt  }
0x55: {  	_ =	shalt  }
0x56: {  	_ =	shalt  }
0x57: {  	_ =	shalt  }
0x58: {  	_ =	shalt  }
0x59: {  	_ =	shalt  }
0x5a: {  	_ =	shalt  }
0x5b: {  	_ =	shalt  }
0x5c: {  	_ =	shalt  }
0x5d: {  	_ =	shalt  }
0x5e: {  	_ =	shalt  }
0x5f: {  	_ =	shalt  }
0x60: {  	_ =	shalt  }
0x61: {  	_ =	shalt  }
0x62: {  	_ =	shalt  }
0x63: {  	_ =	shalt  }
0x64: {  	_ =	shalt  }
0x65: {  	_ =	shalt  }
0x66: {  	_ =	shalt  }
0x67: {  	_ =	shalt  }
0x68: {  	_ =	shalt  }
0x69: {  	_ =	shalt  }
0x6a: {  	_ =	shalt  }
0x6b: {  	_ =	shalt  }
0x6c: {  	_ =	shalt  }
0x6d: {  	_ =	shalt  }
0x6e: {  	_ =	shalt  }
0x6f: {  	_ =	shalt  }
0x70: {  	_ =	shalt  }
0x71: {  	_ =	shalt  }
0x72: {  	_ =	shalt  }
0x73: {  	_ =	shalt  }
0x74: {  	_ =	shalt  }
0x75: {  	_ =	shalt  }
0x76: {  	_ =	shalt  }
0x77: {  	_ =	shalt  }
0x78: {  	_ =	shalt  }
0x79: {  	_ =	shalt  }
0x7a: {  	_ =	shalt  }
0x7b: {  	_ =	shalt  }
0x7c: {  	_ =	shalt  }
0x7d: {  	_ =	shalt  }
0x7e: {  	_ =	shalt  }
0x7f: {  	_ =	shalt  }
0x80: {  	_ =	shalt  }
0x81: {  	_ =	shalt  }
0x82: {  	_ =	shalt  }
0x83: {  	_ =	shalt  }
0x84: {  	_ =	shalt  }
0x85: {  	_ =	shalt  }
0x86: {  	_ =	shalt  }
0x87: {  	_ =	shalt  }
.Lfunc_end0:
.L_simem_size_0:
called_computation_lowered:
.L_overlay_start_0:
0x88: {  	s2 =	sld [smem:$0x3FD9]  }
0x89: {  	s3 =	sld [smem:$0x3FFE];
	_ =	sdelay $0x1  }
0x8a: {  	s1 =	srdreg.scid  }
0x8b: {  	s0 =	sand.u32 $0x1, s1  }
0x8c: {  	s17 =	sshll.u32 s0, $0xA;
	s2 =	sadd.s32 s3, s2  }
0x8d: {  	s2 =	sadd.s32 s2, s17  }
0x8e: {  	[smem:$0x3FC3] =	sst s2  }
0x8f: {  	_ = 	snop  }
0x90: {  	s2 =	sld [smem:$0x3FC8]  }
0x91: {  	s18 =	sld [smem:$0x3FD0];
	(tm) =	ssettm $0x1  }
0x92: {  	s4 =	sld [smem:$0x3FFB];
	_ =	sdelay $0x3  }
0x93: {  	_ =	strace s4  }
0x94: {  	s4 =	sld [smem:$0x3FFC];
	_ =	sdelay $0x3  }
0x95: {  	_ =	strace s4  }
0x96: {  	s4 =	sld [smem:$0x3FFD];
	_ =	sdelay $0x3  }
0x97: {  	_ =	strace s4  }
0x98: {  	_ =	strace $0x8FFFFFFF  }
0x99: {  	s19 =	sld [smem:$0x3FDB];
	_ =	sdelay $0x1  }
0x9a: {  	s5 =	simm.s32 $_scs_section_size  }
0x9b: {  	s6 =	simm.s32 $_size__tile_overlayer_lowered;
	s7 =	simm.s32 $_tile_overlayer_lowered  }
0x9c: {  	s22 =	simm.s32 $0x1BFF;
	s21 =	sshll.u32 s7, $0x1;
	s4 =	sadd.s32 s5, s19  }
0x9d: {  	s8 =	simm.s32 $0x0;
	s20 =	sshll.u32 s6, $0x1;
	s6 =	sadd.s32 s21, s4  }
0x9e: {  	[timem:s8], [sflag:s22] =	dma.local [hbm:s6], s20  }
0x9f: {  	_ =	swait.ge [sflag:s22], s20  }
0xa0: {  	s5 =	ssub.s32 $0x0, s20;
	[sflag:s22] =	ssyncset.done $0x0  }
0xa1: {  	[sflag:s22] =	ssyncadd.s32 s5;
	_ =	sdelay $0x1  }
0xa2: {  	s23 =	simm.s32 $0x1B8B  }
0xa3: {  	_ =	swait.ge [sflag:s23], $0x1  }
0xa4: {  	[sflag:s23] =	ssyncset.done $0x0  }
0xa5: {  	s25 =	simm.s32 $0x1B8E;
	s24 =	sld [smem:$0x3FFE];
	[sflag:s23] =	ssyncadd.s32 $0xFFFFFFFF  }
0xa6: {  	s26 =	simm.s32 $execute0_lowered;
	[smem:$0x3FD2] =	sst s25  }
0xa7: {  	s6 =	sshll.u32 s26, $0x1;
	_ =	strace $0x80000049;
	[dreg:$0x1] =	wrdreg $0xFFFFFFFF  }
0xa8: {  	s28 =	simm.s32 $_size_execute0_lowered;
	s4 =	sadd.s32 s4, s6;
	[dreg:$0x0] =	wrdreg $0x0  }
0xa9: {  	s6 =	sshll.u32 s28, $0x1;
	[dreg:$0x2] =	wrdreg s4  }
0xaa: {  	[dreg:$0x3] =	wrdreg s6  }
0xab: {  	[dreg:$0x4] =	wrdreg $0xC0  }
0xac: {  	_ =	task [dreg:s8], $0x5FFFF  }
0xad: {  	[dreg:$0x1] =	wrdreg $0xFFFFFFFF  }
0xae: {  	[dreg:$0x0] =	wrdreg $0x60  }
0xaf: {  	[dreg:$0x2] =	wrdreg s2  }
0xb0: {  	[dreg:$0x3] =	wrdreg s24  }
0xb1: {  	[dreg:$0x4] =	wrdreg s18  }
0xb2: {  	[dreg:$0x5] =	wrdreg $0x9  }
0xb3: {  	_ =	task.clear_ibuf [dreg:s8], $0x6FFFF;
	_ =	strace $0x90000049  }
0xb4: {  	s29 =	simm.s32 $0x9;
	_ =	strace $0x8000004B  }
0xb5: {  	_ =	swait.ge [sflag:s29], $0x1  }
0xb6: {  	[sflag:s29] =	ssyncadd.s32 $0xFFFFFFFF  }
0xb7: {  	_ =	strace $0x9000004B  }
0xb8: {  	_ =	sfence  }
0xb9: {  	s30 =	sld [smem:$0x0];
	_ =	sdelay $0x2  }
0xba: {  	s31 =	sshll.u32 s1, $0xD;
	s1 =	sshrl.u32 s1, $0x2  }
0xbb: {  	s3 =	sand.u32 $0x4000, s31;
	s1 =	sadd.s32 s1, s30  }
0xbc: {  	s0 =	sor.u32 s3, s0;
	s1 =	sshll.u32 s1, $0x11  }
0xbd: {  	s0 =	sor.u32 s1, s0  }
0xbe: {  	s0 =	sadd.s32 $0x8F2B, s0  }
0xbf: {  	[sflag:s0] =	ssyncadd.remote.s32 $0x1  }
0xc0: {  	_ =	sfence.sel $0xFFFF  }
0xc1: {  	[dreg:$0x0] =	wrdreg $0xFFFFFFFF;
	(pc) =	sbr.abs _section_cstart, $3  }
0xc2: {  	[dreg:$0x1] =	wrdreg $0xFFFFFFFF  }
0xc3: {  	_ =	task.clear_ibuf [dreg:s8], $0x2FFFF;
	_ =	strace $0x9FFFFFFF  }
0xc4: {  	(tm) =	ssettm $0x7FFFFFFF  }
0xc5: {  	_ =	shalt  }
tec
execute0_lowered:
.L_overlay_start_1:
0x0: {  	(tag) =	ssettag $0x1  }
0x1: {  	s2 =	rddreg [dreg:$0x0]  }
0x2: {  	s7 =	rddreg [dreg:$0x1]  }
0x3: {  	s3 =	rddreg [dreg:$0x2]  }
0x4: {  	s0 =	rddreg [dreg:$0x3];
	s1 =	srdreg.scid;
	_ =	strace $0x8000004A  }
0x5: {  	s4 =	simm.s32 $0x1;
	s9 =	simm.s32 $0x3;
	s5 =	sshll.u32 s1, $0x4  }
.Ltmp0:
0x6: {  	s1 =	stileid.u32;
	s5 =	sand.u32 $0x10, s5;
	(pc) =	sbr.rel .LBB2_1-.Ltmp0, $4  }
0x7: {  	s12 =	simm.s32 $0x0;
	s10 =	simm.s32 $0x0;
	s6 =	sor.u32 s1, s5  }
0x8: {  	[sflag:s4] =	ssyncpa.u1 $0x0;
	s5 =	simm.s32 $0x2;
	s6 =	sshll.u32 s6, $0x7  }
0x9: {  	s7 =	sadd.s32 $0x2200, s7;
	[sflag:s5] =	ssyncpa.u1 $0x0;
	s8 =	sadd.s32 $0x80, s6  }
0xa: {  	vm0 =	vmmov $0xff;
	vm1 =	vcmask $0x3F20;
	[sflag:s9] =	ssyncpa.u1 $0x0;
	s9 =	simm.s32 $0x80;
	s11 =	smov.u32 s6  }
.LBB2_9:
0xb: {  	p0 =	seq.s32 s10, $0x2  }
.Ltmp1:
0xc: {  	_ = 	snop;
	(pc) =	sbr.rel @p0 .LBB2_11-.Ltmp1, $1  }
0xd: {  	_ =	sdelay $0x3  }
.LBB2_10:
0xe: {  	s12 =	sadd.s32 $0x80, s11  }
0xf: {  	s13 =	smov.u32 s6;
	p0 =	slt.s32 s12, s8  }
0x10: {  	s13 =	smov.u32 @p0 s12  }
0x11: {  	s10 =	sadd.s32 $0x1, s10;
	s12 =	smov.u32 s11;
	s11 =	smov.u32 s13  }
.LBB2_1:
0x12: {  	p0 =	sne.s32 s10, $0x0  }
.Ltmp2:
0x13: {  	_ = 	snop;
	(pc) =	sbr.rel @!p0 .LBB2_2-.Ltmp2, $1  }
0x14: {  	_ =	sdelay $0x3  }
0x15: {  	s13 =	sand.u32 $0x1, s10  }
0x16: {  	p0 =	seq.s32 s13, $0x0  }
.Ltmp3:
0x17: {  	_ = 	snop;
	(pc) =	sbr.rel @p0 .LBB2_9-.Ltmp3, $1  }
0x18: {  	_ =	sdelay $0x3  }
0x19: {  	_ =	swait.ge [sflag:s5], $0x80  }
0x1a: {  	[sflag:s5] =	ssyncset.done $0x0  }
0x1b: {  	s13 =	simm.s32 $0x0;
	[sflag:s5] =	ssyncadd.s32 $0xFFFFFF80  }
0x1c: {  	v0 =	vld.msk [tilespmem:s13+$0x80 ss:$0x1], $0xffff;
	_ =	sdelay $0x4  }
0x1d: {  	vm2 =	vgt.s32 v0, $0x0  }
0x1e: {  	v0 =	vnsel vm2, $0x0, v0  }
0x1f: {  	v0 =	vmin.u32 v0, $0xFFF  }
0x20: {  	v0 =	vshll.u32 v0, $0x4;
	_ =	sdelay $0x3  }
0x21: {  	s13 =	simm.s32 $0x4100  }
0x22: {  	[tilespmem:s13], [sflag:$0x1] =	stream.indirect_vreg.gather [hbm:s2], $0x80, v0, vm0, $0x38;
	[tilespmem:$0x8100] =	vst v63  }
0x23: {  	s14 =	simm.s32 $0x4500;
	s31 =	simm.s32 $0x10  }
0x24: {  	[tilespmem:s14], [sflag:$0x1] =	stream.indirect_vreg.gather [hbm:s2], $0x80, v0, vm1, $0x38;
	[tilespmem:$0x8100] =	vst v63  }
0x25: {  	s14 =	simm.s32 $0x80;
	v0 =	vld.msk [tilespmem:s31+$0x80 ss:$0x1], $0xffff  }
.LBB2_5:
0x26: {  	p0 =	sne.s32 s14, $0x1C0;
	_ =	sdelay $0x4  }
0x27: {  	vm2 =	vgt.s32 v0, $0x0  }
0x28: {  	v0 =	vnsel vm2, $0x0, v0  }
0x29: {  	v0 =	vmin.u32 v0, $0xFFF  }
0x2a: {  	v0 =	vshll.u32 v0, $0x4;
	_ =	sdelay $0x3  }
.Ltmp4:
0x2b: {  	s13 =	sadd.s32 $0x800, s13;
	(pc) =	sbr.rel @p0 .LBB2_5-.Ltmp4, $4  }
0x2c: {  	[tilespmem:s13], [sflag:$0x1] =	stream.indirect_vreg.gather [hbm:s2], $0x80, v0, vm0, $0x38;
	[tilespmem:$0x8100] =	vst v63  }
0x2d: {  	s15 =	sshra.s32 s14, $0x2;
	s16 =	sadd.s32 $0x400, s13  }
0x2e: {  	[tilespmem:s16], [sflag:$0x1] =	stream.indirect_vreg.gather [hbm:s2], $0x80, v0, vm1, $0x38;
	[tilespmem:$0x8100] =	vst v63  }
0x2f: {  	s14 =	sadd.s32 $0x40, s14;
	v0 =	vld.msk [tilespmem:s15+$0x80 ss:$0x1], $0xffff  }
0x30: {  	_ =	sdelay $0x3  }
0x31: {  	vm2 =	vgt.s32 v0, $0x0  }
0x32: {  	v0 =	vnsel vm2, $0x0, v0  }
0x33: {  	v0 =	vmin.u32 v0, $0xFFF  }
0x34: {  	v0 =	vshll.u32 v0, $0x4;
	_ =	sdelay $0x3  }
0x35: {  	s13 =	sadd.s32 $0x800, s13  }
0x36: {  	[tilespmem:s13], [sflag:$0x1] =	stream.indirect_vreg.gather [hbm:s2], $0x80, v0, vm0, $0x38;
	[tilespmem:$0x8100] =	vst v63  }
0x37: {  	s13 =	sadd.s32 $0x400, s13  }
0x38: {  	[tilespmem:s13], [sflag:$0x1] =	stream.indirect_vreg.gather [hbm:s2], $0x80, v0, vm1, $0x38;
	[tilespmem:$0x8100] =	vst v63  }
0x39: {  	s12 =	sshll.u32 s12, $0x4;
	s14 =	simm.s32 $0x80;
	_ =	swait.ge [sflag:s4], $0x4000  }
0x3a: {  	s15 =	simm.s32 $0x4500;
	s12 =	sadd.s32 s12, s3;
	[sflag:s4] =	ssyncset.done $0x0  }
0x3b: {  	s16 =	sadd.s32 $0x0, s12;
	s13 =	simm.s32 $0x4100;
	[sflag:s4] =	ssyncadd.s32 $0xFFFFC000  }
.LBB2_7:
0x3c: {  	[hbm:s16] =	stream.linear.scatter [tilespmem:s13], [sflag:$0x3], $0x400, $0x38;
	[tilespmem:$0x8100] =	vst v63  }
0x3d: {  	s16 =	smov.u32 s14;
	s13 =	smov.u32 s15;
	p0 =	sne.s32 s14, $0x780  }
.Ltmp5:
0x3e: {  	s14 =	sadd.s32 $0x80, s14;
	(pc) =	sbr.rel @p0 .LBB2_7-.Ltmp5, $2  }
0x3f: {  	_ =	sdelay $0x2  }
0x40: {  	s15 =	sadd.s32 $0x400, s15;
	s16 =	sadd.s32 s16, s12  }
.Ltmp6:
0x41: {  	(pc) =	sbr.rel .LBB2_9-.Ltmp6, $2  }
0x42: {  	_ =	sdelay $0x2  }
0x43: {  	[hbm:s16] =	stream.linear.scatter [tilespmem:s13], [sflag:$0x3], $0x400, $0x38;
	[tilespmem:$0x8100] =	vst v63  }
.LBB2_2:
.Ltmp7:
0x44: {  	(pc) =	sbr.rel .LBB2_10-.Ltmp7, $4  }
0x45: {  	_ = 	snop  }
0x46: {  	s12 =	sshrl.u32 s11, $0x3  }
0x47: {  	s13 =	sand.u32 $0x7, s11;
	s12 =	sadd.s32 s7, s12  }
0x48: {  	[tilespmem:s9], [sflag:$0x2] =	stream.linear.gather [hbm4b:s12+s13], $0x80, $0x38;
	[tilespmem:$0x8100] =	vst v63  }
.LBB2_11:
0x49: {  	s2 =	simm.s32 $0x3  }
0x4a: {  	_ =	swait.ge [sflag:s2], $0x4000  }
0x4b: {  	[sflag:s2] =	ssyncset.done $0x0  }
0x4c: {  	[sflag:s2] =	ssyncadd.s32 $0xFFFFC000  }
0x4d: {  	_ =	sfence.sel $0x180000  }
0x4e: {  	s3 =	simm.s32 $0x2;
	[bflag:$0x0] =	sbarrier.arrive $0xFFFF  }
0x4f: {  	[sflag:s3] =	ssyncpa.u1 $0x1  }
0x50: {  	s31 =	simm.s32 $0x1;
	[sflag:s2] =	ssyncpa.u1 $0x1  }
0x51: {  	[sflag:s31] =	ssyncpa.u1 $0x1  }
0x52: {  	p0 =	sne.s32 s1, $0x0;
	_ =	strace $0x9000004A  }
0x53: {  	s0 =	sadd.s32 @!p0 $0x100000, s0;
	[bflag:$0x2] =	sbarrier.arrive $0xFFFF  }
0x54: {  	[sflag:s0] =	ssyncadd.tile.s32 @!p0 $0x1;
	_ =	shalt  }
.Lfunc_end2:
_tile_overlayer_lowered:
.L_overlay_start_2:
0x55: {  	(tag) =	ssettag $0x2  }
0x56: {  	s0 =	rddreg [dreg:$0x0];
	s2 =	stileid.u32  }
0x57: {  	s1 =	rddreg [dreg:$0x1];
	p0 =	sne.s32 s2, $0x0  }
0x58: {  	s3 =	rddreg [dreg:$0x2];
	[bflag:$0x3] =	sbarrier.arrive $0xFFFF;
	s2 =	simm.s32 @!p0 $0x1C01  }
0x59: {  	[timem:s3], [sflag:s2] =	dma.local @!p0 [hbm:s0], s1  }
0x5a: {  	s0 =	simm.s32 @!p0 $0x1  }
0x5b: {  	_ =	swait.ge @!p0 [sflag:s0], s1  }
0x5c: {  	s1 =	ssub.s32 @!p0 $0x0, s1;
	[sflag:s0] =	ssyncset.done @!p0 $0x0  }
0x5d: {  	[sflag:s0] =	ssyncadd.s32 @!p0 s1  }
0x5e: {  	[bflag:$0x3] =	sbarrier.arrive $0xFFFF  }
0x5f: {  	_ =	shalt  }

// kernel: kernel.5.cloned.1.call-start
scs
__scs_entry_jumppad:
0x0: {  	(pc) =	sbr.rel $0x88, $3  }
0x1: {  	(tag) =	ssettag $0x0;
	lr =	simm.s32 $0x1  }
0x2: {  	[smem:$0x3F9C] =	sst lr;
	_ =	strace $0xD0000000  }
0x3: {  	_ = 	snop  }
0x4: {  	_ = 	snop  }
0x5: {  	_ = 	snop  }
0x6: {  	_ = 	snop  }
0x7: {  	_ = 	snop  }
__scs_overlays_trampoline_lowered:
0x8: {  	[smem:$0x3FAB] =	sst s0  }
0x9: {  	[smem:$0x3FAC] =	sst s1  }
0xa: {  	[smem:$0x3FAD] =	sst s2  }
0xb: {  	[smem:$0x3FAE] =	sst s3  }
0xc: {  	[smem:$0x3FAF] =	sst s4  }
0xd: {  	[smem:$0x3FB0] =	sst s5  }
0xe: {  	[smem:$0x3FB1] =	sst s6  }
0xf: {  	[smem:$0x3FB2] =	sst s7  }
0x10: {  	[smem:$0x3FB3] =	sst s8  }
0x11: {  	[smem:$0x3FB4] =	sst s9;
	s0 =	simm.s32 @!p0 $0x0  }
0x12: {  	s1 =	sld [smem:$0x3F9A];
	s0 =	simm.s32 @p0 $0x1  }
0x13: {  	[smem:$0x3FB5] =	sst s0;
	s0 =	simm.s32 @!p1 $0x0  }
0x14: {  	s2 =	sld [smem:$0x3F99];
	s0 =	simm.s32 @p1 $0x1  }
0x15: {  	[smem:$0x3FB6] =	sst s0;
	s0 =	simm.s32 @!p2 $0x0  }
0x16: {  	s3 =	sld [smem:$0x3FDB];
	s0 =	simm.s32 @p2 $0x1  }
0x17: {  	s4 =	simm.s32 $0x1BF5;
	[smem:$0x3FB8] =	sst s0  }
0x18: {  	s0 =	sld [smem:$0x3F9B];
	_ =	swait.ge [sflag:s4], $0x0  }
0x19: {  	s7 =	sld [smem:$0x3F9C]  }
0x1a: {  	s8 =	sadd.s32 $0xFFFFE003, lr  }
0x1b: {  	s9 =	sadd.s32 $0xFFFFFEF7, lr;
	s5 =	simm.s32 $0xFFFFFFFF;
	p2 =	slt.u32 s8, $0xFFFFF086  }
0x1c: {  	p1 =	slt.u32 s9, $0xF7A;
	s5 =	simm.s32 @!p2 $0x0  }
0x1d: {  	s5 =	simm.s32 @p1 $0x1;
	p0 =	seq.s32 s7, s2  }
0x1e: {  	s7 =	smul.u32 @!p0 $0xF7A, s2;
	p2 =	seq.s32 @!p0 s5, $0x0  }
0x1f: {  	s9 =	smul.u32 $0xF7A, s1;
	s8 =	simm.s32 @!p0 $0x1BF5;
	p2 =	por !p2, p0  }
0x20: {  	[sflag:s8] =	ssyncset.s32 @!p0 $0xFFFFF086;
	s6 =	sadd.s32 @!p0 s3, s7;
	s7 =	simm.s32 @!p0 $0x108  }
0x21: {  	s3 =	sadd.s32 s3, s9;
	s6 =	sadd.s32 @!p0 $0x88, s6;
	s7 =	simm.s32 @p2 $0x1082  }
0x22: {  	[simem:s7], [sflag:s8] =	dma.local @!p0 [hbm:s6], $0xF7A  }
0x23: {  	s9 =	sor.u32 $0xD0000000, s2;
	s6 =	simm.s32 $0x108;
	_ =	swait.ge @!p0 [sflag:s8], $0x0  }
0x24: {  	s3 =	sadd.s32 $0x88, s3;
	s6 =	simm.s32 @!p1 $0x1082;
	[sflag:s4] =	ssyncset.s32 $0xFFFFF086  }
0x25: {  	[simem:s6], [sflag:s4] =	dma.local [hbm:s3], $0xF7A  }
0x26: {  	[smem:$0x3F9C] =	sst s1;
	(tag) =	ssettag s2;
	_ =	strace s9  }
0x27: {  	s1 =	sld [smem:$0x3FAC]  }
0x28: {  	s2 =	sld [smem:$0x3FAD]  }
0x29: {  	s4 =	sld [smem:$0x3FAF]  }
0x2a: {  	p0 =	seq.s32 s5, $0x0;
	s5 =	sld [smem:$0x3FB0]  }
0x2b: {  	s6 =	sld [smem:$0x3FB1]  }
0x2c: {  	s7 =	sld [smem:$0x3FB2]  }
0x2d: {  	s3 =	simm.s32 $0x108;
	s8 =	sld [smem:$0x3FB3]  }
0x2e: {  	s3 =	simm.s32 @!p0 $0x1082;
	s9 =	sld [smem:$0x3FB4]  }
0x2f: {  	lr =	sadd.s32 s0, s3;
	s0 =	sld [smem:$0x3FAB]  }
0x30: {  	s3 =	sld [smem:$0x3FAE]  }
0x31: {  	[smem:$0x3FB7] =	sst s10  }
0x32: {  	s10 =	sld [smem:$0x3FB5];
	_ =	sdelay $0x3  }
0x33: {  	p0 =	seq.s32 s10, $0x1;
	s10 =	sld [smem:$0x3FB7];
	_ =	sdelay $0x3  }
0x34: {  	[smem:$0x3FB7] =	sst s10  }
0x35: {  	s10 =	sld [smem:$0x3FB6];
	_ =	sdelay $0x3  }
0x36: {  	p1 =	seq.s32 s10, $0x1;
	s10 =	sld [smem:$0x3FB7];
	_ =	sdelay $0x3  }
0x37: {  	[smem:$0x3FB7] =	sst s10  }
0x38: {  	s10 =	sld [smem:$0x3FB8]  }
0x39: {  	_ = 	snop;
	(pc) =	sbr.ind lr, $3  }
0x3a: {  	_ = 	snop  }
0x3b: {  	_ = 	snop  }
0x3c: {  	p2 =	seq.s32 s10, $0x1;
	s10 =	sld [smem:$0x3FB7]  }
0x3d: {  	_ =	shalt  }
0x3e: {  	_ =	shalt  }
0x3f: {  	_ =	shalt  }
0x40: {  	_ =	shalt  }
0x41: {  	_ =	shalt  }
0x42: {  	_ =	shalt  }
0x43: {  	_ =	shalt  }
0x44: {  	_ =	shalt  }
0x45: {  	_ =	shalt  }
0x46: {  	_ =	shalt  }
0x47: {  	_ =	shalt  }
0x48: {  	_ =	shalt  }
0x49: {  	_ =	shalt  }
0x4a: {  	_ =	shalt  }
0x4b: {  	_ =	shalt  }
0x4c: {  	_ =	shalt  }
0x4d: {  	_ =	shalt  }
0x4e: {  	_ =	shalt  }
0x4f: {  	_ =	shalt  }
0x50: {  	_ =	shalt  }
0x51: {  	_ =	shalt  }
0x52: {  	_ =	shalt  }
0x53: {  	_ =	shalt  }
0x54: {  	_ =	shalt  }
0x55: {  	_ =	shalt  }
0x56: {  	_ =	shalt  }
0x57: {  	_ =	shalt  }
0x58: {  	_ =	shalt  }
0x59: {  	_ =	shalt  }
0x5a: {  	_ =	shalt  }
0x5b: {  	_ =	shalt  }
0x5c: {  	_ =	shalt  }
0x5d: {  	_ =	shalt  }
0x5e: {  	_ =	shalt  }
0x5f: {  	_ =	shalt  }
0x60: {  	_ =	shalt  }
0x61: {  	_ =	shalt  }
0x62: {  	_ =	shalt  }
0x63: {  	_ =	shalt  }
0x64: {  	_ =	shalt  }
0x65: {  	_ =	shalt  }
0x66: {  	_ =	shalt  }
0x67: {  	_ =	shalt  }
0x68: {  	_ =	shalt  }
0x69: {  	_ =	shalt  }
0x6a: {  	_ =	shalt  }
0x6b: {  	_ =	shalt  }
0x6c: {  	_ =	shalt  }
0x6d: {  	_ =	shalt  }
0x6e: {  	_ =	shalt  }
0x6f: {  	_ =	shalt  }
0x70: {  	_ =	shalt  }
0x71: {  	_ =	shalt  }
0x72: {  	_ =	shalt  }
0x73: {  	_ =	shalt  }
0x74: {  	_ =	shalt  }
0x75: {  	_ =	shalt  }
0x76: {  	_ =	shalt  }
0x77: {  	_ =	shalt  }
0x78: {  	_ =	shalt  }
0x79: {  	_ =	shalt  }
0x7a: {  	_ =	shalt  }
0x7b: {  	_ =	shalt  }
0x7c: {  	_ =	shalt  }
0x7d: {  	_ =	shalt  }
0x7e: {  	_ =	shalt  }
0x7f: {  	_ =	shalt  }
0x80: {  	_ =	shalt  }
0x81: {  	_ =	shalt  }
0x82: {  	_ =	shalt  }
0x83: {  	_ =	shalt  }
0x84: {  	_ =	shalt  }
0x85: {  	_ =	shalt  }
0x86: {  	_ =	shalt  }
0x87: {  	_ =	shalt  }
.Lfunc_end0:
.L_simem_size_0:
called_computation.2_lowered:
.L_overlay_start_0:
0x88: {  	s2 =	sld [smem:$0x3FD9]  }
0x89: {  	s3 =	sld [smem:$0x3FFE];
	_ =	sdelay $0x1  }
0x8a: {  	s1 =	srdreg.scid  }
0x8b: {  	s0 =	sand.u32 $0x1, s1  }
0x8c: {  	s17 =	sshll.u32 s0, $0xA;
	s2 =	sadd.s32 s3, s2  }
0x8d: {  	s2 =	sadd.s32 s2, s17  }
0x8e: {  	[smem:$0x3FC3] =	sst s2  }
0x8f: {  	_ = 	snop  }
0x90: {  	s2 =	sld [smem:$0x3FC9]  }
0x91: {  	s18 =	sld [smem:$0x3FD0];
	(tm) =	ssettm $0x1  }
0x92: {  	s4 =	sld [smem:$0x3FFB];
	_ =	sdelay $0x3  }
0x93: {  	_ =	strace s4  }
0x94: {  	s4 =	sld [smem:$0x3FFC];
	_ =	sdelay $0x3  }
0x95: {  	_ =	strace s4  }
0x96: {  	s4 =	sld [smem:$0x3FFD];
	_ =	sdelay $0x3  }
0x97: {  	_ =	strace s4  }
0x98: {  	_ =	strace $0x8FFFFFFF  }
0x99: {  	s19 =	sld [smem:$0x3FDB];
	_ =	sdelay $0x1  }
0x9a: {  	s5 =	simm.s32 $_scs_section_size  }
0x9b: {  	s6 =	simm.s32 $_size__tile_overlayer_lowered;
	s7 =	simm.s32 $_tile_overlayer_lowered  }
0x9c: {  	s22 =	simm.s32 $0x1BFF;
	s21 =	sshll.u32 s7, $0x1;
	s4 =	sadd.s32 s5, s19  }
0x9d: {  	s8 =	simm.s32 $0x0;
	s20 =	sshll.u32 s6, $0x1;
	s6 =	sadd.s32 s21, s4  }
0x9e: {  	[timem:s8], [sflag:s22] =	dma.local [hbm:s6], s20  }
0x9f: {  	_ =	swait.ge [sflag:s22], s20  }
0xa0: {  	s5 =	ssub.s32 $0x0, s20;
	[sflag:s22] =	ssyncset.done $0x0  }
0xa1: {  	[sflag:s22] =	ssyncadd.s32 s5;
	_ =	sdelay $0x1  }
0xa2: {  	s23 =	simm.s32 $0x1B8B  }
0xa3: {  	_ =	swait.ge [sflag:s23], $0x1  }
0xa4: {  	[sflag:s23] =	ssyncset.done $0x0  }
0xa5: {  	s25 =	simm.s32 $0x1B8E;
	s24 =	sld [smem:$0x3FFE];
	[sflag:s23] =	ssyncadd.s32 $0xFFFFFFFF  }
0xa6: {  	s26 =	simm.s32 $execute0_lowered;
	[smem:$0x3FD2] =	sst s25  }
0xa7: {  	s6 =	sshll.u32 s26, $0x1;
	_ =	strace $0x80000046;
	[dreg:$0x1] =	wrdreg $0xFFFFFFFF  }
0xa8: {  	s28 =	simm.s32 $_size_execute0_lowered;
	s4 =	sadd.s32 s4, s6;
	[dreg:$0x0] =	wrdreg $0x0  }
0xa9: {  	s6 =	sshll.u32 s28, $0x1;
	[dreg:$0x2] =	wrdreg s4  }
0xaa: {  	[dreg:$0x3] =	wrdreg s6  }
0xab: {  	[dreg:$0x4] =	wrdreg $0xC0  }
0xac: {  	_ =	task [dreg:s8], $0x5FFFF  }
0xad: {  	[dreg:$0x1] =	wrdreg $0xFFFFFFFF  }
0xae: {  	[dreg:$0x0] =	wrdreg $0x60  }
0xaf: {  	[dreg:$0x2] =	wrdreg s2  }
0xb0: {  	[dreg:$0x3] =	wrdreg s18  }
0xb1: {  	[dreg:$0x4] =	wrdreg s24  }
0xb2: {  	[dreg:$0x5] =	wrdreg $0x9  }
0xb3: {  	_ =	task.clear_ibuf [dreg:s8], $0x6FFFF;
	_ =	strace $0x90000046  }
0xb4: {  	s29 =	simm.s32 $0x9;
	_ =	strace $0x80000048  }
0xb5: {  	_ =	swait.ge [sflag:s29], $0x1  }
0xb6: {  	[sflag:s29] =	ssyncadd.s32 $0xFFFFFFFF  }
0xb7: {  	_ =	strace $0x90000048  }
0xb8: {  	_ =	sfence  }
0xb9: {  	s30 =	sld [smem:$0x0];
	_ =	sdelay $0x2  }
0xba: {  	s31 =	sshll.u32 s1, $0xD;
	s1 =	sshrl.u32 s1, $0x2  }
0xbb: {  	s3 =	sand.u32 $0x4000, s31;
	s1 =	sadd.s32 s1, s30  }
0xbc: {  	s0 =	sor.u32 s3, s0;
	s1 =	sshll.u32 s1, $0x11  }
0xbd: {  	s0 =	sor.u32 s1, s0  }
0xbe: {  	s0 =	sadd.s32 $0x8F2B, s0  }
0xbf: {  	[sflag:s0] =	ssyncadd.remote.s32 $0x1  }
0xc0: {  	_ =	sfence.sel $0xFFFF  }
0xc1: {  	[dreg:$0x0] =	wrdreg $0xFFFFFFFF;
	(pc) =	sbr.abs _section_cstart, $3  }
0xc2: {  	[dreg:$0x1] =	wrdreg $0xFFFFFFFF  }
0xc3: {  	_ =	task.clear_ibuf [dreg:s8], $0x2FFFF;
	_ =	strace $0x9FFFFFFF  }
0xc4: {  	(tm) =	ssettm $0x7FFFFFFF  }
0xc5: {  	_ =	shalt  }
tec
execute0_lowered:
.L_overlay_start_1:
0x0: {  	(tag) =	ssettag $0x1  }
0x1: {  	s0 =	srdreg.scid  }
0x2: {  	s4 =	sand.u32 $0x1, s0;
	s0 =	stileid.u32  }
0x3: {  	s5 =	sshll.u32 s0, $0x1;
	s7 =	ssub.s32 $0x0, s4  }
0x4: {  	p0 =	sne.s32 s5, s7  }
.Ltmp0:
0x5: {  	_ = 	snop;
	(pc) =	sbr.rel @p0 .LBB2_15-.Ltmp0, $4  }
0x6: {  	s1 =	rddreg [dreg:$0x0]  }
0x7: {  	s3 =	rddreg [dreg:$0x1]  }
0x8: {  	s6 =	rddreg [dreg:$0x2]  }
0x9: {  	s2 =	rddreg [dreg:$0x3];
	_ =	strace $0x80000047  }
0xa: {  	s7 =	ssub.s32 $0x2, s4;
	s4 =	sadd.s32 $0x1C00, s6  }
0xb: {  	s5 =	sadd.s32 $0x1E00, s6;
	s6 =	sadd.s32 $0x2000, s6;
	s9 =	simm.s32 $0x1  }
0xc: {  	s10 =	simm.s32 $0x1000;
	s11 =	simm.s32 $0x7400;
	s12 =	simm.s32 $0x7000  }
0xd: {  	s13 =	simm.s32 $0x5000;
	s14 =	simm.s32 $0x6000;
	s8 =	sshrl.u32 s7, $0x1  }
0xe: {  	v0 =	vimm.s32 $0x0;
	v1 =	vlaneseq.u32;
	s15 =	simm.s32 $0x7800;
	s16 =	simm.s32 $0x7D80;
	s7 =	ssub.s32 s7, s8  }
0xf: {  	v3 =	vimm.s32 $0x1;
	v4 =	vimm.s32 $0xFFFFFFFF;
	s17 =	simm.s32 $0x0;
	v2 =	vmul.u32 $0x400, v1;
	s8 =	simm.s32 $0x0;
	s7 =	smax.u32 s7, $0x1  }
.LBB2_2:
0x10: {  	[tilespmem:s8], [sflag:$0x1] =	stream.linear.gather [hbm4b:s1+s8], $0x1000, $0x38;
	[tilespmem:$0x8300] =	vst v63  }
0x11: {  	_ =	swait.ge [sflag:s9], $0x1000  }
0x12: {  	[sflag:s9] =	ssyncset.done $0x0  }
0x13: {  	s18 =	simm.s32 $0x40;
	s19 =	simm.s32 $0x0;
	[sflag:s9] =	ssyncadd.s32 $0xFFFFF000  }
.LBB2_3:
0x14: {  	p0 =	sne.s32 s18, $0xFFC0;
	[tilespmem:s19+$0x1000] =	vst v0;
	s19 =	smov.u32 s18;
	s18 =	sadd.s32 $0x40, s18  }
.Ltmp1:
0x15: {  	(pc) =	sbr.rel @p0 .LBB2_3-.Ltmp1, $2  }
0x16: {  	_ =	sdelay $0x2  }
0x17: {  	s19 =	sshra.s32 s19, $0x2  }
0x18: {  	[tilespmem:s19+$0x1000] =	vst v0;
	s18 =	simm.s32 $0x0;
	s20 =	simm.s32 $0x0;
	s19 =	simm.s32 $0x40  }
.LBB2_5:
0x19: {  	p0 =	sne.s32 s19, $0x3FC0;
	v5 =	vld [tilespmem:s20+$0x0];
	_ =	sdelay $0x4  }
0x1a: {  	v5 =	vadd.s32 v2, v5  }
.Ltmp2:
0x1b: {  	(pc) =	sbr.rel @p0 .LBB2_5-.Ltmp2, $2  }
0x1c: {  	_ =	sdelay $0x2  }
0x1d: {  	s20 =	sshra.s32 s19, $0x2;
	s19 =	sadd.s32 $0x40, s19;
	[tilespmem:v5+s10+$0x0] =	vst.idx.add.s32.msk $0xffff, v3  }
0x1e: {  	v5 =	vld [tilespmem:s20+$0x0];
	_ =	sdelay $0x4  }
0x1f: {  	v5 =	vadd.s32 v2, v5;
	_ =	sdelay $0x4  }
0x20: {  	[tilespmem:v5+s10+$0x0] =	vst.idx.add.s32.msk $0xffff, v3  }
.LBB2_7:
0x21: {  	p0 =	sne.s32 s18, $0x15C0  }
.Ltmp3:
0x22: {  	_ = 	snop;
	(pc) =	sbr.rel @p0 .LBB2_7-.Ltmp3, $3  }
0x23: {  	_ =	sdelay $0x1  }
0x24: {  	s19 =	sshra.s32 s18, $0x2  }
0x25: {  	s18 =	sadd.s32 $0x40, s18;
	[tilespmem:s19+$0x7800] =	vst v4  }
0x26: {  	s18 =	simm.s32 $0x0  }
0x27: {  	s19 =	simm.s32 $0x1000;
	s20 =	simm.s32 $0x7000;
	s21 =	simm.s32 $0x7400  }
0x28: {  	s22 =	simm.s32 $0x0;
	s23 =	simm.s32 $0x0;
	s24 =	simm.s32 $0x0  }
.LBB2_9:
0x29: {  	v5 =	vld [tilespmem:s19+$0x0];
	s25 =	sand.u32 $0x3F0, s22  }
0x2a: {  	v6 =	vld [tilespmem:s25+$0x1400]  }
0x2b: {  	v7 =	vld [tilespmem:s25+$0x1800]  }
0x2c: {  	v8 =	vld [tilespmem:s25+$0x1C00]  }
0x2d: {  	v9 =	vld [tilespmem:s25+$0x2000]  }
0x2e: {  	v10 =	vld [tilespmem:s25+$0x2400]  }
0x2f: {  	v5 =	vadd.s32 v5, v6;
	v6 =	vld [tilespmem:s25+$0x2800]  }
0x30: {  	v5 =	vadd.s32 v7, v5;
	v7 =	vld [tilespmem:s25+$0x2C00]  }
0x31: {  	v45 =	vld [tilespmem:s25+$0x3000];
	v5 =	vadd.s32 v8, v5  }
0x32: {  	v46 =	vld [tilespmem:s25+$0x3400];
	v5 =	vadd.s32 v9, v5  }
0x33: {  	v47 =	vld [tilespmem:s25+$0x3800];
	v5 =	vadd.s32 v10, v5  }
0x34: {  	v5 =	vadd.s32 v6, v5;
	v6 =	vld [tilespmem:s25+$0x3C00]  }
0x35: {  	v5 =	vadd.s32 v7, v5;
	v7 =	vld [tilespmem:s25+$0x4000]  }
0x36: {  	v48 =	vld [tilespmem:s25+$0x4400];
	v5 =	vadd.s32 v45, v5  }
0x37: {  	v49 =	vld [tilespmem:s25+$0x4800];
	v5 =	vadd.s32 v46, v5  }
0x38: {  	v50 =	vld [tilespmem:s25+$0x4C00];
	v5 =	vadd.s32 v47, v5  }
0x39: {  	v5 =	vadd.s32 v6, v5  }
0x3a: {  	v5 =	vadd.s32 v7, v5  }
0x3b: {  	v5 =	vadd.s32 v48, v5  }
0x3c: {  	v5 =	vadd.s32 v49, v5  }
0x3d: {  	v5 =	vadd.s32 v50, v5  }
0x3e: {  	(xrf0) =	vadd.scan.msk.s32 $0xffff, v5;
	_ =	sdelay $0x5  }
0x3f: {  	v6, _, _ =	vpop (xrf0)  }
0x40: {  	v51 =	vadd.s32 $0x7, v5;
	v7 =	vsub.s32 v6, v5  }
0x41: {  	v8 =	vshrl.u32 v51, $0x3;
	v7 =	vadd.s32 s24, v7  }
0x42: {  	(xrf0) =	vadd.scan.msk.s32 $0xffff, v8;
	[tilespmem:s20+$0x0] =	vst v7  }
0x43: {  	v52 =	vld [tilespmem:s19+$0x0];
	[tilespmem:s19+$0x0] =	vst v7  }
0x44: {  	v53 =	vld [tilespmem:s25+$0x1400]  }
0x45: {  	v11 =	vld [tilespmem:s25+$0x1800]  }
0x46: {  	v12 =	vld [tilespmem:s25+$0x1C00]  }
0x47: {  	v13 =	vld [tilespmem:s25+$0x2000]  }
0x48: {  	(v2sf) =	vpush v6, $0xF;
	v54 =	vld [tilespmem:s25+$0x2400];
	v6, _, _ =	vpop (xrf0);
	v7 =	vadd.s32 v52, v7  }
0x49: {  	v55 =	vld [tilespmem:s25+$0x2800];
	(v2sf) =	vpush v6, $0xF;
	[tilespmem:s25+$0x1400] =	vst v7;
	v7 =	vadd.s32 v53, v7  }
0x4a: {  	v56 =	vld [tilespmem:s25+$0x2C00];
	[tilespmem:s25+$0x1800] =	vst v7;
	v7 =	vadd.s32 v11, v7  }
0x4b: {  	v57 =	vld [tilespmem:s25+$0x3000];
	[tilespmem:s25+$0x1C00] =	vst v7;
	v7 =	vadd.s32 v12, v7  }
0x4c: {  	v58 =	vld [tilespmem:s25+$0x3400];
	[tilespmem:s25+$0x2000] =	vst v7;
	v7 =	vadd.s32 v7, v13  }
0x4d: {  	v59 =	vld [tilespmem:s25+$0x3800];
	[tilespmem:s25+$0x2400] =	vst v7;
	v7 =	vadd.s32 v7, v54  }
0x4e: {  	v60 =	vld [tilespmem:s25+$0x3C00];
	[tilespmem:s25+$0x2800] =	vst v7;
	v7 =	vadd.s32 v7, v55  }
0x4f: {  	v61 =	vld [tilespmem:s25+$0x4000];
	[tilespmem:s25+$0x2C00] =	vst v7;
	v7 =	vadd.s32 v7, v56  }
0x50: {  	v62 =	vld [tilespmem:s25+$0x4400];
	[tilespmem:s25+$0x3000] =	vst v7;
	v7 =	vadd.s32 v7, v57  }
0x51: {  	v63 =	vld [tilespmem:s25+$0x4800];
	[tilespmem:s25+$0x3400] =	vst v7;
	v7 =	vadd.s32 v7, v58  }
0x52: {  	[tilespmem:s25+$0x3800] =	vst v7;
	v7 =	vadd.s32 v7, v59  }
0x53: {  	vm0 =	vgt.s32 v5, $0x0;
	v6 =	vsub.s32 v6, v8;
	[tilespmem:s25+$0x3C00] =	vst v7;
	v7 =	vadd.s32 v7, v60  }
0x54: {  	p0 =	sne.s32 s22, $0x3F0;
	v6 =	vadd.s32 s23, v6;
	[tilespmem:s25+$0x4000] =	vst v7;
	v5 =	vadd.s32 v7, v61  }
.Ltmp4:
0x55: {  	[tilespmem:s25+$0x4400] =	vst v5;
	v5 =	vadd.s32 v5, v62;
	(pc) =	sbr.rel @p0 .LBB2_9-.Ltmp4, $4  }
0x56: {  	[tilespmem:s25+$0x4800] =	vst v5;
	v5 =	vadd.s32 v5, v63  }
0x57: {  	s20 =	sadd.s32 $0x10, s20;
	s19 =	sadd.s32 $0x10, s19;
	s26 =	spop (v2sf);
	[tilespmem:s25+$0x4C00] =	vst v5  }
0x58: {  	s24 =	sadd.s32 s24, s26;
	s31 =	spop (v2sf);
	s25 =	simm.s32 $0x7800;
	v5 =	vor.u32 s22, v1;
	[tilespmem:s21+$0x0] =	vst v6  }
0x59: {  	s23 =	sadd.s32 s23, s31;
	s22 =	sadd.s32 $0x10, s22;
	s21 =	sadd.s32 $0x10, s21;
	[tilespmem:v6+s25+$0x0] =	vst.idx.msk vm0, v5  }
0x5a: {  	v5 =	vld [tilespmem:s25+$0x0];
	_ =	sdelay $0x4  }
0x5b: {  	v5 =	vxor.u32 $0x80000000, v5  }
0x5c: {  	(xrf0) =	vmax.scan.msk.u32 $0xffff, v5;
	_ =	sdelay $0x5  }
0x5d: {  	v5, _, _ =	vpop (xrf0)  }
0x5e: {  	v5 =	vxor.u32 $0x80000000, v5  }
0x5f: {  	vm0 =	vgt.s32 v5, s18  }
0x60: {  	v5 =	vnsel vm0, s18, v5;
	_ =	sdelay $0x4  }
0x61: {  	v6 =	vxor.u32 $0x80000000, v5;
	v7 =	vld.idx.msk [tilespmem:v5+s11+$0x0], $0xffff  }
0x62: {  	(xrf0) =	vmax.scan.msk.u32 $0xffff, v6  }
0x63: {  	v6 =	vld.idx.msk [tilespmem:v5+s12+$0x0], $0xffff;
	_ =	sdelay $0x1  }
0x64: {  	v8 =	vor.u32 s18, v1  }
0x65: {  	v7 =	vsub.s32 v8, v7  }
0x66: {  	v7 =	vshll.u32 v7, $0x3  }
0x67: {  	v8, _, _ =	vpop (xrf0);
	v6 =	vadd.s32 v6, v7  }
0x68: {  	(v2sf) =	vpush v8, $0xF;
	vm14 =	vlt.s32 v6, $0x1000  }
0x69: {  	s18 =	simm.s32 $0x7D80;
	[tilespmem:s25+$0x0] =	vst v5;
	v6 =	vnsel vm14, $0x1000, v6  }
0x6a: {  	s20 =	simm.s32 $0x7810;
	[tilespmem:s18+$0x0] =	vst v6  }
0x6b: {  	v5 =	vld [tilespmem:s20+$0x0];
	_ =	sdelay $0x4  }
0x6c: {  	v5 =	vxor.u32 $0x80000000, v5  }
0x6d: {  	(xrf0) =	vmax.scan.msk.u32 $0xffff, v5;
	_ =	sdelay $0x5  }
0x6e: {  	s19 =	spop (v2sf);
	v5, _, _ =	vpop (xrf0)  }
0x6f: {  	s19 =	sxor.u32 $0x80000000, s19;
	v5 =	vxor.u32 $0x80000000, v5  }
0x70: {  	vm15 =	vgt.s32 v5, s19  }
0x71: {  	v5 =	vnsel vm15, s19, v5  }
0x72: {  	v6 =	vxor.u32 $0x80000000, v5  }
0x73: {  	(xrf0) =	vmax.scan.msk.u32 $0xffff, v6;
	_ =	sdelay $0x3  }
0x74: {  	v6 =	vld.idx.msk [tilespmem:v5+s11+$0x0], $0xffff;
	_ =	sdelay $0x1  }
0x75: {  	s21 =	simm.s32 $0x10;
	s22 =	simm.s32 $0x30;
	s19 =	simm.s32 $0x20;
	v7 =	vld.idx.msk [tilespmem:v5+s12+$0x0], $0xffff;
	v8, _, _ =	vpop (xrf0)  }
.LBB2_11:
0x76: {  	p0 =	sne.s32 s22, $0x570;
	(v2sf) =	vpush v8, $0xF  }
0x77: {  	v8 =	vor.u32 s21, v1;
	s21 =	smov.u32 s19;
	s19 =	smov.u32 s22  }
0x78: {  	v6 =	vsub.s32 v8, v6  }
0x79: {  	v6 =	vshll.u32 v6, $0x3  }
0x7a: {  	v6 =	vadd.s32 v7, v6  }
0x7b: {  	vm0 =	vlt.s32 v6, $0x1000  }
0x7c: {  	s18 =	sadd.s32 $0x10, s18;
	v6 =	vnsel vm0, $0x1000, v6;
	[tilespmem:s20+$0x0] =	vst v5  }
0x7d: {  	s20 =	sadd.s32 $0x10, s20;
	[tilespmem:s18+$0x0] =	vst v6  }
0x7e: {  	v5 =	vld [tilespmem:s20+$0x0];
	_ =	sdelay $0x4  }
0x7f: {  	v5 =	vxor.u32 $0x80000000, v5  }
0x80: {  	(xrf0) =	vmax.scan.msk.u32 $0xffff, v5  }
0x81: {  	s23 =	spop (v2sf)  }
0x82: {  	s23 =	sxor.u32 $0x80000000, s23;
	_ =	sdelay $0x3  }
0x83: {  	v5, _, _ =	vpop (xrf0)  }
0x84: {  	v5 =	vxor.u32 $0x80000000, v5  }
0x85: {  	vm0 =	vgt.s32 v5, s23  }
0x86: {  	v5 =	vnsel vm0, s23, v5  }
0x87: {  	v6 =	vxor.u32 $0x80000000, v5  }
0x88: {  	(xrf0) =	vmax.scan.msk.u32 $0xffff, v6;
	_ =	sdelay $0x1  }
.Ltmp5:
0x89: {  	(pc) =	sbr.rel @p0 .LBB2_11-.Ltmp5, $3  }
0x8a: {  	v6 =	vld.idx.msk [tilespmem:v5+s11+$0x0], $0xffff;
	_ =	sdelay $0x1  }
0x8b: {  	v7 =	vld.idx.msk [tilespmem:v5+s12+$0x0], $0xffff  }
0x8c: {  	s22 =	sadd.s32 $0x10, s22;
	v8, _, _ =	vpop (xrf0)  }
0x8d: {  	v9 =	vor.u32 s21, v1  }
0x8e: {  	v6 =	vsub.s32 v9, v6  }
0x8f: {  	v6 =	vshll.u32 v6, $0x3  }
0x90: {  	v6 =	vadd.s32 v7, v6  }
0x91: {  	(v2sf) =	vpush v8, $0xF;
	vm0 =	vlt.s32 v6, $0x1000  }
0x92: {  	[tilespmem:s20+$0x0] =	vst v5;
	s18 =	sadd.s32 $0x10, s18;
	v6 =	vnsel vm0, $0x1000, v6  }
0x93: {  	s29 =	sadd.s32 $0x10, s20;
	[tilespmem:s18+$0x0] =	vst v6  }
0x94: {  	v5 =	vld [tilespmem:s29+$0x0];
	_ =	sdelay $0x4  }
0x95: {  	v5 =	vxor.u32 $0x80000000, v5  }
0x96: {  	(xrf0) =	vmax.scan.msk.u32 $0xffff, v5;
	_ =	sdelay $0x5  }
0x97: {  	s30 =	spop (v2sf);
	v5, _, _ =	vpop (xrf0)  }
0x98: {  	s21 =	sxor.u32 $0x80000000, s30;
	v5 =	vxor.u32 $0x80000000, v5  }
0x99: {  	vm14 =	vgt.s32 v5, s21  }
0x9a: {  	v5 =	vnsel vm14, s21, v5  }
0x9b: {  	v6 =	vxor.u32 $0x80000000, v5  }
0x9c: {  	(xrf0) =	vmax.scan.msk.u32 $0xffff, v6;
	_ =	sdelay $0x5  }
0x9d: {  	v6, _, _ =	vpop (xrf0)  }
0x9e: {  	(v2sf) =	vpush v6, $0xF;
	_ =	sdelay $0x4  }
0x9f: {  	v6 =	vld.idx.msk [tilespmem:v5+s11+$0x0], $0xffff;
	_ =	sdelay $0x1  }
0xa0: {  	v7 =	vld.idx.msk [tilespmem:v5+s12+$0x0], $0xffff;
	_ =	sdelay $0x1  }
0xa1: {  	v63 =	vor.u32 s19, v1  }
0xa2: {  	v6 =	vsub.s32 v63, v6  }
0xa3: {  	v6 =	vshll.u32 v6, $0x3  }
0xa4: {  	v6 =	vadd.s32 v7, v6  }
0xa5: {  	vm15 =	vlt.s32 v6, $0x1000  }
0xa6: {  	s19 =	simm.s32 $0x6000;
	s18 =	sadd.s32 $0x10, s18;
	[tilespmem:s29+$0x0] =	vst v5;
	v6 =	vnsel vm15, $0x1000, v6  }
0xa7: {  	s20 =	simm.s32 $0x0;
	[tilespmem:s18+$0x0] =	vst v6;
	s18 =	simm.s32 $0x0;
	s31 =	spop (v2sf)  }
.LBB2_13:
0xa8: {  	v5 =	vld [tilespmem:s18+$0x0];
	_ =	sdelay $0x4  }
0xa9: {  	v5 =	vadd.s32 v2, v5;
	_ =	sdelay $0x4  }
0xaa: {  	v6 =	vld.idx.msk [tilespmem:v5+s10+$0x0], $0xffff;
	_ =	sdelay $0x4  }
0xab: {  	p0 =	sne.s32 s20, $0xFF0  }
.Ltmp6:
0xac: {  	_ = 	snop;
	(pc) =	sbr.rel @p0 .LBB2_13-.Ltmp6, $4  }
0xad: {  	v7 =	vor.u32 s20, v1  }
0xae: {  	[tilespmem:v6+s13+$0x0] =	vst.idx.msk $0xffff, v7  }
0xaf: {  	[tilespmem:s19+$0x0] =	vst v6;
	v6 =	vadd.s32 $0x1, v6  }
0xb0: {  	s18 =	sadd.s32 $0x10, s18;
	s20 =	sadd.s32 $0x10, s20;
	s19 =	sadd.s32 $0x10, s19;
	[tilespmem:v5+s10+$0x0] =	vst.idx.msk $0xffff, v6  }
0xb1: {  	[hbm4b:s3+s8] =	stream.linear.scatter [tilespmem:s13], [sflag:$0x1], $0x1000, $0x38;
	[tilespmem:$0x8300] =	vst v63  }
0xb2: {  	_ =	swait.ge [sflag:s9], $0x1000  }
0xb3: {  	[sflag:s9] =	ssyncset.done $0x0  }
0xb4: {  	[sflag:s9] =	ssyncadd.s32 $0xFFFFF000  }
0xb5: {  	[hbm4b:s4+s8] =	stream.linear.scatter [tilespmem:s14], [sflag:$0x1], $0x1000, $0x38;
	[tilespmem:$0x8300] =	vst v63  }
0xb6: {  	_ =	swait.ge [sflag:s9], $0x1000  }
0xb7: {  	[sflag:s9] =	ssyncset.done $0x0  }
0xb8: {  	[sflag:s9] =	ssyncadd.s32 $0xFFFFF000  }
0xb9: {  	[hbm4b:s5+s8] =	stream.linear.scatter [tilespmem:s15], [sflag:$0x1], $0x580, $0x38;
	[tilespmem:$0x8300] =	vst v63  }
0xba: {  	s17 =	sadd.s32 $0x1, s17;
	_ =	swait.ge [sflag:s9], $0x580  }
0xbb: {  	p0 =	sne.s32 s17, s7;
	[sflag:s9] =	ssyncset.done $0x0  }
.Ltmp7:
0xbc: {  	[sflag:s9] =	ssyncadd.s32 $0xFFFFFA80;
	(pc) =	sbr.rel @p0 .LBB2_2-.Ltmp7, $4  }
0xbd: {  	[hbm4b:s6+s8] =	stream.linear.scatter [tilespmem:s16], [sflag:$0x1], $0x580, $0x38;
	[tilespmem:$0x8300] =	vst v63  }
0xbe: {  	_ =	swait.ge [sflag:s9], $0x580  }
0xbf: {  	[sflag:s9] =	ssyncset.done $0x0  }
0xc0: {  	[sflag:s9] =	ssyncadd.s32 $0xFFFFFA80  }
.LBB2_15:
0xc1: {  	_ =	sfence.sel $0x180000  }
0xc2: {  	[bflag:$0x0] =	sbarrier.arrive $0xFFFF  }
0xc3: {  	p0 =	sne.s32 s0, $0x0;
	_ =	strace $0x90000047  }
0xc4: {  	s0 =	sadd.s32 @!p0 $0x100000, s2;
	[bflag:$0x2] =	sbarrier.arrive $0xFFFF  }
0xc5: {  	[sflag:s0] =	ssyncadd.tile.s32 @!p0 $0x1;
	_ =	shalt  }
.Lfunc_end2:
_tile_overlayer_lowered:
.L_overlay_start_2:
0xc6: {  	(tag) =	ssettag $0x2  }
0xc7: {  	s0 =	rddreg [dreg:$0x0];
	s2 =	stileid.u32  }
0xc8: {  	s1 =	rddreg [dreg:$0x1];
	p0 =	sne.s32 s2, $0x0  }
0xc9: {  	s3 =	rddreg [dreg:$0x2];
	[bflag:$0x3] =	sbarrier.arrive $0xFFFF;
	s2 =	simm.s32 @!p0 $0x1C01  }
0xca: {  	[timem:s3], [sflag:s2] =	dma.local @!p0 [hbm:s0], s1  }
0xcb: {  	s0 =	simm.s32 @!p0 $0x1  }
0xcc: {  	_ =	swait.ge @!p0 [sflag:s0], s1  }
0xcd: {  	s1 =	ssub.s32 @!p0 $0x0, s1;
	[sflag:s0] =	ssyncset.done @!p0 $0x0  }
0xce: {  	[sflag:s0] =	ssyncadd.s32 @!p0 s1  }
0xcf: {  	[bflag:$0x3] =	sbarrier.arrive $0xFFFF  }
0xd0: {  	_ =	shalt  }

</sc_bundles>
